<compile_context>
chip_gen: v7x
topology: tpu7x:2x2x1
jax: 0.10.2.dev20260603
libtpu: 0.0.44.dev20260713+nightly
codegen_flags: <defaults>
</compile_context>

<pallas_src>
import functools
import math

import jax
import jax.numpy as jnp
from jax import lax
from jax.experimental import pallas as pl
from jax.experimental.pallas import tpu as pltpu
from jax.experimental.pallas import tpu_sc as plsc

B = 4096
P = 8192
D = 32
TEMP = 0.5
MOM = 0.9
LN_M = math.log(MOM)

RB = 8
BR = B // RB
CB = 8
PC = P // CB

NC = 2
NS = 16
NTILES = NC * NS
TROWS = P // NTILES
TSHIFT = 8
WCHUNK = 256
GRP = 8
NGRP = B // GRP


def _weights_body(cidr_ref, cidc_ref, emb_ref, proto_ref,
                  we_ref, decayed_ref, hitcnt_ref):
    r = pl.program_id(0)
    cidr = cidr_ref[...]
    row_gid = r * BR + lax.broadcasted_iota(jnp.int32, (BR, 1), 0)

    def step(k, acc):
        cidc = cidc_ref[:, pl.ds(k * 1024, 1024)]
        col_gid = k * 1024 + lax.broadcasted_iota(jnp.int32, (1, 1024), 1)
        hit = (cidr == cidc) & (col_gid > row_gid)
        return acc + jnp.sum(jnp.where(hit, 1.0, 0.0), axis=1, keepdims=True)

    occ_after = lax.fori_loop(0, B // 1024, step, jnp.zeros((BR, 1), jnp.float32))
    w = (1.0 - MOM) * jnp.exp(occ_after * LN_M)
    we_ref[...] = emb_ref[...] * w

    colv = r * PC + lax.broadcasted_iota(jnp.int32, (PC, 1), 0)

    def cstep(k, acc):
        cidc = cidc_ref[:, pl.ds(k * 1024, 1024)]
        return acc + jnp.sum(jnp.where(colv == cidc, 1.0, 0.0),
                             axis=1, keepdims=True)

    cnt = lax.fori_loop(0, B // 1024, cstep, jnp.zeros((PC, 1), jnp.float32))
    decayed_ref[...] = proto_ref[...] * jnp.exp(cnt * LN_M)

    cids = cidc_ref[:, pl.ds(r * BR, BR)]
    tilev = lax.broadcasted_iota(jnp.int32, (NTILES, 1), 0)
    teq = jnp.where(tilev == lax.shift_right_logical(cids, TSHIFT), 1.0, 0.0)
    rowv = lax.broadcasted_iota(jnp.int32, (BR, 1), 0) // GRP
    gsel = jnp.where(rowv == lax.broadcasted_iota(jnp.int32, (1, BR // GRP), 1),
                     1.0, 0.0)
    hc = lax.dot_general(teq, gsel, (((1,), (0,)), ((), ())),
                         preferred_element_type=jnp.float32)
    hitcnt_ref[...] = hc.reshape(1, NTILES, BR // GRP)


def _loss_body(emb_ref, proto_ref, cidcol_ref,
               loss_ref,
               sumexp_ref, pos_ref, lossacc_ref):
    r = pl.program_id(0)
    c = pl.program_id(1)

    emb = emb_ref[...]
    en = emb * lax.rsqrt(jnp.maximum(jnp.sum(emb * emb, axis=1, keepdims=True), 1e-24))
    pr = proto_ref[...]
    pn = pr * lax.rsqrt(jnp.maximum(jnp.sum(pr * pr, axis=1, keepdims=True), 1e-24))
    s = lax.dot_general(en, pn, (((1,), (1,)), ((), ())),
                        preferred_element_type=jnp.float32) * (1.0 / TEMP)

    cid_col = cidcol_ref[...]
    col_gid = c * PC + lax.broadcasted_iota(jnp.int32, (1, PC), 1)
    is_pos = cid_col == col_gid

    prev_se = jnp.where(c == 0, jnp.zeros((BR, 1), jnp.float32), sumexp_ref[...])
    sumexp_ref[...] = prev_se + jnp.sum(jnp.exp(s), axis=1, keepdims=True)
    prev_pos = jnp.where(c == 0, jnp.zeros((BR, 1), jnp.float32), pos_ref[...])
    pos_ref[...] = prev_pos + jnp.sum(jnp.where(is_pos, s, 0.0), axis=1, keepdims=True)

    @pl.when(c == CB - 1)
    def _finish_row_block():
        pos = pos_ref[...]
        se = sumexp_ref[...]
        row_loss = -pos + jnp.log(se - jnp.exp(pos))
        prev = jnp.where(r == 0, jnp.zeros((1, 1), jnp.float32), lossacc_ref[...])
        lossacc_ref[...] = prev + jnp.sum(row_loss, axis=(0, 1), keepdims=True)

    @pl.when((c == CB - 1) & (r == RB - 1))
    def _emit_loss():
        loss_ref[...] = lossacc_ref[...] * (1.0 / B)


_weights_call = pl.pallas_call(
    _weights_body,
    grid=(RB,),
    in_specs=[
        pl.BlockSpec((BR, 1), lambda r: (r, 0)),
        pl.BlockSpec((1, B), lambda r: (0, 0)),
        pl.BlockSpec((BR, D), lambda r: (r, 0)),
        pl.BlockSpec((PC, D), lambda r: (r, 0)),
    ],
    out_specs=[
        pl.BlockSpec((BR, D), lambda r: (r, 0)),
        pl.BlockSpec((PC, D), lambda r: (r, 0)),
        pl.BlockSpec((1, NTILES, BR // GRP), lambda r: (r, 0, 0)),
    ],
    out_shape=[
        jax.ShapeDtypeStruct((B, D), jnp.float32),
        jax.ShapeDtypeStruct((P, D), jnp.float32),
        jax.ShapeDtypeStruct((RB, NTILES, BR // GRP), jnp.float32),
    ],
)

_loss_call = pl.pallas_call(
    _loss_body,
    grid=(RB, CB),
    in_specs=[
        pl.BlockSpec((BR, D), lambda r, c: (r, 0)),
        pl.BlockSpec((PC, D), lambda r, c: (c, 0)),
        pl.BlockSpec((BR, 1), lambda r, c: (r, 0)),
    ],
    out_specs=pl.BlockSpec((1, 1), lambda r, c: (0, 0)),
    out_shape=jax.ShapeDtypeStruct((1, 1), jnp.float32),
    scratch_shapes=[
        pltpu.VMEM((BR, 1), jnp.float32),
        pltpu.VMEM((BR, 1), jnp.float32),
        pltpu.VMEM((1, 1), jnp.float32),
    ],
)


@functools.cache
def _make_sc_update():
    return pl.kernel(
        _sc_update_body,
        out_type=jax.ShapeDtypeStruct((P, D), jnp.float32),
        mesh=plsc.VectorSubcoreMesh(core_axis_name="c", subcore_axis_name="s",
                                    num_cores=NC, num_subcores=NS),
        scratch_types=[
            pltpu.VMEM((TROWS, D), jnp.float32),
            pltpu.VMEM((B + 16,), jnp.int32),
            pltpu.VMEM((WCHUNK, D), jnp.float32),
            pltpu.VMEM((NGRP + 16,), jnp.float32),
        ],
    )


def _sc_update_body(decayed_hbm, cid_hbm, we_hbm, hitcnt_hbm, out_hbm,
                    proto_v, ids_v, we_v, hits_v):
    cidx = lax.axis_index("c")
    sidx = lax.axis_index("s")
    gid = cidx * NS + sidx
    base = gid * TROWS

    pltpu.sync_copy(decayed_hbm.at[pl.ds(base, TROWS)], proto_v)
    pltpu.sync_copy(cid_hbm, ids_v.at[pl.ds(0, B)])
    pltpu.sync_copy(hitcnt_hbm.at[gid], hits_v.at[pl.ds(0, NGRP)])

    def _chunk(ch, carry):
        pltpu.sync_copy(we_hbm.at[pl.ds(ch * WCHUNK, WCHUNK)], we_v)

        def _group(g, c2):
            nh = hits_v[pl.ds(ch * (WCHUNK // GRP) + g, 16)][0]

            @pl.when(nh > 0.0)
            def _():
                for j in range(GRP):
                    i = g * GRP + j
                    loc = ids_v[pl.ds(ch * WCHUNK + i, 16)][0] - base

                    @pl.when((loc >= 0) & (loc < TROWS))
                    def _():
                        proto_v[loc, pl.ds(0, 16)] = (
                            proto_v[loc, pl.ds(0, 16)] + we_v[i, pl.ds(0, 16)])
                        proto_v[loc, pl.ds(16, 16)] = (
                            proto_v[loc, pl.ds(16, 16)] + we_v[i, pl.ds(16, 16)])

            return c2

        lax.fori_loop(0, WCHUNK // GRP, _group, 0)
        return carry

    lax.fori_loop(0, B // WCHUNK, _chunk, 0)

    pltpu.sync_copy(proto_v, out_hbm.at[pl.ds(base, TROWS)])


def kernel(embeddings, cluster_ids, prototypes):
    cid_col = cluster_ids.reshape(B, 1)
    cid_row = cluster_ids.reshape(1, B)
    we, decayed, hitcnt = _weights_call(cid_col, cid_row, embeddings, prototypes)
    hitcnt_t = hitcnt.transpose(1, 0, 2).reshape(NTILES, NGRP)
    loss2d = _loss_call(embeddings, prototypes, cid_col)
    new_protos = _make_sc_update()(decayed, cluster_ids, we, hitcnt_t)
    return loss2d[0, 0], new_protos

# --- scband reference (transcript-rebuilt; emitter-appended) ---
"""Pipeline reference for scband-prototype-consistent-learning-48155173323223 (READ-ONLY COPY).

The authoritative reference and input builder live on the scoring server;
editing this copy changes nothing except your own understanding.
"""

import jax, jax.numpy as jnp
import numpy as np

EMBED_DIM = 32
NUM_PROTOTYPES = 8192
TEMPERATURE = 0.5
MOMENTUM = 0.9
BATCH = 4096


def _l2norm(x, axis=1, eps=1e-12):
    n = jnp.linalg.norm(x, axis=axis, keepdims=True)
    return x / jnp.maximum(n, eps)


def setup_inputs(seed: int = 0) -> dict:
    key = jax.random.key(seed)
    k1, k2, k3 = jax.random.split(key, 3)
    embeddings = jax.random.normal(k1, (BATCH, EMBED_DIM), dtype=jnp.float32)
    cluster_ids = jax.random.randint(k2, (BATCH,), 0, NUM_PROTOTYPES, dtype=jnp.int32)
    prototypes = jax.random.normal(k3, (NUM_PROTOTYPES, EMBED_DIM), dtype=jnp.float32)
    return {"embeddings": embeddings, "cluster_ids": cluster_ids, "prototypes": prototypes}


def reference(embeddings, cluster_ids, prototypes):
    emb_norm = _l2norm(embeddings, axis=1)
    proto_norm = _l2norm(prototypes, axis=1)
    sim_matrix = jnp.matmul(emb_norm, proto_norm.T) / TEMPERATURE
    pos_sim = jnp.take_along_axis(sim_matrix, cluster_ids[:, None].astype(jnp.int32), axis=1)
    # mask out the positive column (scatter-set to -inf) to form negatives
    rows = jnp.arange(BATCH, dtype=jnp.int32)
    neg_sim = sim_matrix.at[rows, cluster_ids].set(-jnp.inf)
    max_val = jnp.max(neg_sim, axis=1, keepdims=True)
    log_sum_exp = jnp.log(jnp.sum(jnp.exp(neg_sim - max_val), axis=1, keepdims=True)) + max_val
    loss = jnp.mean(-pos_sim + log_sum_exp)
    # sequential momentum prototype update (no_grad in torch; later samples see earlier updates)
    def body(i, protos):
        cid = cluster_ids[i]
        new_row = MOMENTUM * protos[cid] + (1.0 - MOMENTUM) * embeddings[i]
        return protos.at[cid].set(new_row)
    new_prototypes = jax.lax.fori_loop(0, BATCH, body, prototypes)
    return (loss, new_prototypes)

if __name__ == "__main__":
    import jax
    _d = setup_inputs()
    print(jax.jit(kernel)(*tuple(_d.values())))

</pallas_src>

<mosaic_0001>
#map = affine_map<(d0, d1) -> (0, 0)>
#map1 = affine_map<(d0, d1) -> (0)>
module attributes {stable_mosaic.version = 14 : i64} {
  func.func @_sc_update_body(%arg0: i32, %arg1: i32, %arg2: memref<8192x32xf32, #tpu.memory_space<hbm>>, %arg3: memref<4096xi32, #tpu.memory_space<hbm>>, %arg4: memref<4096x32xf32, #tpu.memory_space<hbm>>, %arg5: memref<32x512xf32, #tpu.memory_space<hbm>>, %arg6: memref<8192x32xf32, #tpu.memory_space<hbm>>, %arg7: memref<256x32xf32, #tpu.memory_space<vmem>>, %arg8: memref<4112xi32, #tpu.memory_space<vmem>>, %arg9: memref<256x32xf32, #tpu.memory_space<vmem>>, %arg10: memref<528xf32, #tpu.memory_space<vmem>>) attributes {dimension_semantics = [#tpu.dimension_semantics<core_parallel>, #tpu.dimension_semantics<subcore_parallel>], iteration_bounds = array<i64: 2, 16>, scalar_prefetch = 0 : i64, scratch_operands = 4 : i64, tpu.core_type = #tpu.core_type<sc_vector_subcore>, window_params = [{transform_indices = #map}, {transform_indices = #map1}, {transform_indices = #map}, {transform_indices = #map}, {transform_indices = #map}]} {
    %mul3A = arith.constant 16 : i32
    %mul3A_0 = arith.muli %arg0, %mul3A : i32
    %add3A = arith.addi %mul3A_0, %arg1 : i32
    %mul3A_1 = arith.constant 256 : i32
    %mul3A_2 = arith.muli %add3A, %mul3A_1 : i32
    "tpu.region"() ({
      %run_scoped3A = tpu.sem_alloc : memref<!tpu.dma_semaphore, #tpu.memory_space<semaphore_mem>>
      %dma_start3A = arith.constant 0 : i32
      %dma_start3A_8 = tpu.memref_slice %arg2[%mul3A_2, %dma_start3A] : memref<8192x32xf32, #tpu.memory_space<hbm>> -> memref<256x32xf32, #tpu.memory_space<hbm>>
      %dma_start3A_9 = arith.constant 0 : i32
      %dma_start3A_10 = tpu.memref_slice %arg2[%mul3A_2, %dma_start3A_9] : memref<8192x32xf32, #tpu.memory_space<hbm>> -> memref<256x32xf32, #tpu.memory_space<hbm>>
      tpu.enqueue_dma source(%dma_start3A_10 : memref<256x32xf32, #tpu.memory_space<hbm>>) target(%arg7 : memref<256x32xf32, #tpu.memory_space<vmem>>) target_semaphore(%run_scoped3A : memref<!tpu.dma_semaphore, #tpu.memory_space<semaphore_mem>>)
      %dma_wait3A = arith.constant 0 : i32
      %dma_wait3A_11 = tpu.memref_slice %arg2[%mul3A_2, %dma_wait3A] : memref<8192x32xf32, #tpu.memory_space<hbm>> -> memref<256x32xf32, #tpu.memory_space<hbm>>
      %dma_wait3A_12 = arith.constant 0 : i32
      %dma_wait3A_13 = tpu.memref_slice %arg2[%mul3A_2, %dma_wait3A_12] : memref<8192x32xf32, #tpu.memory_space<hbm>> -> memref<256x32xf32, #tpu.memory_space<hbm>>
      tpu.wait_dma2 semaphore(%run_scoped3A : memref<!tpu.dma_semaphore, #tpu.memory_space<semaphore_mem>>) src(%dma_wait3A_13 : memref<256x32xf32, #tpu.memory_space<hbm>>) dst(%arg7 : memref<256x32xf32, #tpu.memory_space<vmem>>)
      tpu.yield
    }) : () -> ()
    "tpu.region"() ({
      %run_scoped3A = tpu.sem_alloc : memref<!tpu.dma_semaphore, #tpu.memory_space<semaphore_mem>>
      %dma_start3A = arith.constant 0 : i32
      %dma_start3A_8 = tpu.memref_slice %arg8[%dma_start3A] : memref<4112xi32, #tpu.memory_space<vmem>> -> memref<4096xi32, #tpu.memory_space<vmem>>
      %dma_start3A_9 = arith.constant 0 : i32
      %dma_start3A_10 = tpu.memref_slice %arg8[%dma_start3A_9] : memref<4112xi32, #tpu.memory_space<vmem>> -> memref<4096xi32, #tpu.memory_space<vmem>>
      tpu.enqueue_dma source(%arg3 : memref<4096xi32, #tpu.memory_space<hbm>>) target(%dma_start3A_10 : memref<4096xi32, #tpu.memory_space<vmem>>) target_semaphore(%run_scoped3A : memref<!tpu.dma_semaphore, #tpu.memory_space<semaphore_mem>>)
      %dma_wait3A = arith.constant 0 : i32
      %dma_wait3A_11 = tpu.memref_slice %arg8[%dma_wait3A] : memref<4112xi32, #tpu.memory_space<vmem>> -> memref<4096xi32, #tpu.memory_space<vmem>>
      %dma_wait3A_12 = arith.constant 0 : i32
      %dma_wait3A_13 = tpu.memref_slice %arg8[%dma_wait3A_12] : memref<4112xi32, #tpu.memory_space<vmem>> -> memref<4096xi32, #tpu.memory_space<vmem>>
      tpu.wait_dma2 semaphore(%run_scoped3A : memref<!tpu.dma_semaphore, #tpu.memory_space<semaphore_mem>>) src(%arg3 : memref<4096xi32, #tpu.memory_space<hbm>>) dst(%dma_wait3A_13 : memref<4096xi32, #tpu.memory_space<vmem>>)
      tpu.yield
    }) : () -> ()
    "tpu.region"() ({
      %run_scoped3A = tpu.sem_alloc : memref<!tpu.dma_semaphore, #tpu.memory_space<semaphore_mem>>
      %dma_start3A = arith.constant 0 : i32
      %dma_start3A_8 = tpu.memref_slice %arg10[%dma_start3A] : memref<528xf32, #tpu.memory_space<vmem>> -> memref<512xf32, #tpu.memory_space<vmem>>
      %dma_start3A_9 = arith.constant 0 : i32
      %dma_start3A_10 = tpu.memref_slice %arg5[%add3A, %dma_start3A_9] : memref<32x512xf32, #tpu.memory_space<hbm>> -> memref<1x512xf32, #tpu.memory_space<hbm>>
      %dma_start3A_11 = tpu.memref_squeeze %dma_start3A_10 : memref<1x512xf32, #tpu.memory_space<hbm>> -> memref<512xf32, #tpu.memory_space<hbm>>
      %dma_start3A_12 = arith.constant 0 : i32
      %dma_start3A_13 = tpu.memref_slice %arg10[%dma_start3A_12] : memref<528xf32, #tpu.memory_space<vmem>> -> memref<512xf32, #tpu.memory_space<vmem>>
      %dma_start3A_14 = arith.constant 0 : i32
      %dma_start3A_15 = tpu.memref_slice %arg5[%add3A, %dma_start3A_14] : memref<32x512xf32, #tpu.memory_space<hbm>> -> memref<1x512xf32, #tpu.memory_space<hbm>>
      %dma_start3A_16 = tpu.memref_squeeze %dma_start3A_15 : memref<1x512xf32, #tpu.memory_space<hbm>> -> memref<512xf32, #tpu.memory_space<hbm>>
      tpu.enqueue_dma source(%dma_start3A_16 : memref<512xf32, #tpu.memory_space<hbm>>) target(%dma_start3A_13 : memref<512xf32, #tpu.memory_space<vmem>>) target_semaphore(%run_scoped3A : memref<!tpu.dma_semaphore, #tpu.memory_space<semaphore_mem>>)
      %dma_wait3A = arith.constant 0 : i32
      %dma_wait3A_17 = tpu.memref_slice %arg10[%dma_wait3A] : memref<528xf32, #tpu.memory_space<vmem>> -> memref<512xf32, #tpu.memory_space<vmem>>
      %dma_wait3A_18 = arith.constant 0 : i32
      %dma_wait3A_19 = tpu.memref_slice %arg5[%add3A, %dma_wait3A_18] : memref<32x512xf32, #tpu.memory_space<hbm>> -> memref<1x512xf32, #tpu.memory_space<hbm>>
      %dma_wait3A_20 = tpu.memref_squeeze %dma_wait3A_19 : memref<1x512xf32, #tpu.memory_space<hbm>> -> memref<512xf32, #tpu.memory_space<hbm>>
      %dma_wait3A_21 = arith.constant 0 : i32
      %dma_wait3A_22 = tpu.memref_slice %arg10[%dma_wait3A_21] : memref<528xf32, #tpu.memory_space<vmem>> -> memref<512xf32, #tpu.memory_space<vmem>>
      %dma_wait3A_23 = arith.constant 0 : i32
      %dma_wait3A_24 = tpu.memref_slice %arg5[%add3A, %dma_wait3A_23] : memref<32x512xf32, #tpu.memory_space<hbm>> -> memref<1x512xf32, #tpu.memory_space<hbm>>
      %dma_wait3A_25 = tpu.memref_squeeze %dma_wait3A_24 : memref<1x512xf32, #tpu.memory_space<hbm>> -> memref<512xf32, #tpu.memory_space<hbm>>
      tpu.wait_dma2 semaphore(%run_scoped3A : memref<!tpu.dma_semaphore, #tpu.memory_space<semaphore_mem>>) src(%dma_wait3A_25 : memref<512xf32, #tpu.memory_space<hbm>>) dst(%dma_wait3A_22 : memref<512xf32, #tpu.memory_space<vmem>>)
      tpu.yield
    }) : () -> ()
    %scan3A = arith.constant 0 : i32
    %scan3A_3 = arith.constant 0 : i32
    %scan3A_4 = arith.constant 16 : i32
    %scan3A_5 = arith.addi %scan3A_3, %scan3A_4 : i32
    %scan3A_6 = arith.constant 1 : i32
    scf.for %scan3A_8 = %scan3A_3 to %scan3A_5 step %scan3A_6  : i32 {
      %mul3A_9 = arith.constant 256 : i32
      %mul3A_10 = arith.muli %scan3A_8, %mul3A_9 : i32
      "tpu.region"() ({
        %run_scoped3A = tpu.sem_alloc : memref<!tpu.dma_semaphore, #tpu.memory_space<semaphore_mem>>
        %dma_start3A = arith.constant 0 : i32
        %dma_start3A_17 = tpu.memref_slice %arg4[%mul3A_10, %dma_start3A] : memref<4096x32xf32, #tpu.memory_space<hbm>> -> memref<256x32xf32, #tpu.memory_space<hbm>>
        %dma_start3A_18 = arith.constant 0 : i32
        %dma_start3A_19 = tpu.memref_slice %arg4[%mul3A_10, %dma_start3A_18] : memref<4096x32xf32, #tpu.memory_space<hbm>> -> memref<256x32xf32, #tpu.memory_space<hbm>>
        tpu.enqueue_dma source(%dma_start3A_19 : memref<256x32xf32, #tpu.memory_space<hbm>>) target(%arg9 : memref<256x32xf32, #tpu.memory_space<vmem>>) target_semaphore(%run_scoped3A : memref<!tpu.dma_semaphore, #tpu.memory_space<semaphore_mem>>)
        %dma_wait3A = arith.constant 0 : i32
        %dma_wait3A_20 = tpu.memref_slice %arg4[%mul3A_10, %dma_wait3A] : memref<4096x32xf32, #tpu.memory_space<hbm>> -> memref<256x32xf32, #tpu.memory_space<hbm>>
        %dma_wait3A_21 = arith.constant 0 : i32
        %dma_wait3A_22 = tpu.memref_slice %arg4[%mul3A_10, %dma_wait3A_21] : memref<4096x32xf32, #tpu.memory_space<hbm>> -> memref<256x32xf32, #tpu.memory_space<hbm>>
        tpu.wait_dma2 semaphore(%run_scoped3A : memref<!tpu.dma_semaphore, #tpu.memory_space<semaphore_mem>>) src(%dma_wait3A_22 : memref<256x32xf32, #tpu.memory_space<hbm>>) dst(%arg9 : memref<256x32xf32, #tpu.memory_space<vmem>>)
        tpu.yield
      }) : () -> ()
      %scan3A_11 = arith.constant 0 : i32
      %scan3A_12 = arith.constant 0 : i32
      %scan3A_13 = arith.constant 32 : i32
      %scan3A_14 = arith.addi %scan3A_12, %scan3A_13 : i32
      %scan3A_15 = arith.constant 1 : i32
      scf.for %scan3A_17 = %scan3A_12 to %scan3A_14 step %scan3A_15  : i32 {
        %mul3A_18 = arith.constant 32 : i32
        %mul3A_19 = arith.muli %scan3A_8, %mul3A_18 : i32
        %add3A_20 = arith.addi %mul3A_19, %scan3A_17 : i32
        %get3A = arith.index_cast %add3A_20 : i32 to index
        %get3A_21 = tpu.vector_load %arg10[%get3A] {strides = array<i32>} : memref<528xf32, #tpu.memory_space<vmem>>, vector<16xf32>,
        %get3A_22 = vector.shape_cast %get3A_21 : vector<16xf32> to vector<16xf32>
        %slice3A = vector.extract_strided_slice %get3A_22 {offsets = [0], sizes = [1], strides = [1]} : vector<16xf32> to vector<1xf32>
        %squeeze3A = vector.extract %slice3A[0] : f32 from vector<1xf32>
        %gt3A = arith.constant 0.000000e+00 : f32
        %gt3A_23 = arith.cmpf ogt, %squeeze3A, %gt3A : f32
        %convert_element_type3A = arith.extui %gt3A_23 : i1 to i32
        %cond3A = arith.constant 0 : i32
        %cond3A_24 = arith.cmpi ne, %convert_element_type3A, %cond3A : i32
        scf.if %cond3A_24 {
          %mul3A_25 = arith.constant 8 : i32
          %mul3A_26 = arith.muli %scan3A_17, %mul3A_25 : i32
          %add3A_27 = arith.constant 0 : i32
          %add3A_28 = arith.addi %mul3A_26, %add3A_27 : i32
          %mul3A_29 = arith.constant 256 : i32
          %mul3A_30 = arith.muli %scan3A_8, %mul3A_29 : i32
          %add3A_31 = arith.addi %mul3A_30, %add3A_28 : i32
          %get3A_32 = arith.index_cast %add3A_31 : i32 to index
          %get3A_33 = tpu.vector_load %arg8[%get3A_32] {strides = array<i32>} : memref<4112xi32, #tpu.memory_space<vmem>>, vector<16xi32>,
          %get3A_34 = vector.shape_cast %get3A_33 : vector<16xi32> to vector<16xi32>
          %slice3A_35 = vector.extract_strided_slice %get3A_34 {offsets = [0], sizes = [1], strides = [1]} : vector<16xi32> to vector<1xi32>
          %squeeze3A_36 = vector.extract %slice3A_35[0] : i32 from vector<1xi32>
          %sub3A = arith.subi %squeeze3A_36, %mul3A_2 : i32
          %ge3A = arith.constant 0 : i32
          %ge3A_37 = arith.cmpi sge, %sub3A, %ge3A : i32
          %lt3A = arith.constant 256 : i32
          %lt3A_38 = arith.cmpi slt, %sub3A, %lt3A : i32
          %and3A = arith.andi %ge3A_37, %lt3A_38 : i1
          %convert_element_type3A_39 = arith.extui %and3A : i1 to i32
          %cond3A_40 = arith.constant 0 : i32
          %cond3A_41 = arith.cmpi ne, %convert_element_type3A_39, %cond3A_40 : i32
          scf.if %cond3A_41 {
            %get3A_189 = arith.index_cast %sub3A : i32 to index
            %get3A_190 = arith.constant 0 : index
            %get3A_191 = tpu.vector_load %arg7[%get3A_189, %get3A_190] {strides = array<i32>} : memref<256x32xf32, #tpu.memory_space<vmem>>, vector<1x16xf32>,
            %get3A_192 = vector.shape_cast %get3A_191 : vector<1x16xf32> to vector<16xf32>
            %get3A_193 = arith.index_cast %add3A_28 : i32 to index
            %get3A_194 = arith.constant 0 : index
            %get3A_195 = tpu.vector_load %arg9[%get3A_193, %get3A_194] {strides = array<i32>} : memref<256x32xf32, #tpu.memory_space<vmem>>, vector<1x16xf32>,
            %get3A_196 = vector.shape_cast %get3A_195 : vector<1x16xf32> to vector<16xf32>
            %add3A_197 = arith.addf %get3A_192, %get3A_196 : vector<16xf32>
            %swap3A = arith.index_cast %sub3A : i32 to index
            %swap3A_198 = arith.constant 0 : index
            %swap3A_199 = tpu.vector_load %arg7[%swap3A, %swap3A_198] {strides = array<i32>} : memref<256x32xf32, #tpu.memory_space<vmem>>, vector<1x16xf32>,
            %swap3A_200 = vector.shape_cast %swap3A_199 : vector<1x16xf32> to vector<16xf32>
            %swap3A_201 = vector.shape_cast %add3A_197 : vector<16xf32> to vector<1x16xf32>
            tpu.vector_store %arg7[%swap3A, %swap3A_198], %swap3A_201 {strides = array<i32>} : memref<256x32xf32, #tpu.memory_space<vmem>>, vector<1x16xf32>,
            %get3A_202 = arith.index_cast %sub3A : i32 to index
            %get3A_203 = arith.constant 16 : index
            %get3A_204 = tpu.vector_load %arg7[%get3A_202, %get3A_203] {strides = array<i32>} : memref<256x32xf32, #tpu.memory_space<vmem>>, vector<1x16xf32>,
            %get3A_205 = vector.shape_cast %get3A_204 : vector<1x16xf32> to vector<16xf32>
            %get3A_206 = arith.index_cast %add3A_28 : i32 to index
            %get3A_207 = arith.constant 16 : index
            %get3A_208 = tpu.vector_load %arg9[%get3A_206, %get3A_207] {strides = array<i32>} : memref<256x32xf32, #tpu.memory_space<vmem>>, vector<1x16xf32>,
            %get3A_209 = vector.shape_cast %get3A_208 : vector<1x16xf32> to vector<16xf32>
            %add3A_210 = arith.addf %get3A_205, %get3A_209 : vector<16xf32>
            %swap3A_211 = arith.index_cast %sub3A : i32 to index
            %swap3A_212 = arith.constant 16 : index
            %swap3A_213 = tpu.vector_load %arg7[%swap3A_211, %swap3A_212] {strides = array<i32>} : memref<256x32xf32, #tpu.memory_space<vmem>>, vector<1x16xf32>,
            %swap3A_214 = vector.shape_cast %swap3A_213 : vector<1x16xf32> to vector<16xf32>
            %swap3A_215 = vector.shape_cast %add3A_210 : vector<16xf32> to vector<1x16xf32>
            tpu.vector_store %arg7[%swap3A_211, %swap3A_212], %swap3A_215 {strides = array<i32>} : memref<256x32xf32, #tpu.memory_space<vmem>>, vector<1x16xf32>,
          } else {
          }
          %mul3A_42 = arith.constant 8 : i32
          %mul3A_43 = arith.muli %scan3A_17, %mul3A_42 : i32
          %add3A_44 = arith.constant 1 : i32
          %add3A_45 = arith.addi %mul3A_43, %add3A_44 : i32
          %mul3A_46 = arith.constant 256 : i32
          %mul3A_47 = arith.muli %scan3A_8, %mul3A_46 : i32
          %add3A_48 = arith.addi %mul3A_47, %add3A_45 : i32
          %get3A_49 = arith.index_cast %add3A_48 : i32 to index
          %get3A_50 = tpu.vector_load %arg8[%get3A_49] {strides = array<i32>} : memref<4112xi32, #tpu.memory_space<vmem>>, vector<16xi32>,
          %get3A_51 = vector.shape_cast %get3A_50 : vector<16xi32> to vector<16xi32>
          %slice3A_52 = vector.extract_strided_slice %get3A_51 {offsets = [0], sizes = [1], strides = [1]} : vector<16xi32> to vector<1xi32>
          %squeeze3A_53 = vector.extract %slice3A_52[0] : i32 from vector<1xi32>
          %sub3A_54 = arith.subi %squeeze3A_53, %mul3A_2 : i32
          %ge3A_55 = arith.constant 0 : i32
          %ge3A_56 = arith.cmpi sge, %sub3A_54, %ge3A_55 : i32
          %lt3A_57 = arith.constant 256 : i32
          %lt3A_58 = arith.cmpi slt, %sub3A_54, %lt3A_57 : i32
          %and3A_59 = arith.andi %ge3A_56, %lt3A_58 : i1
          %convert_element_type3A_60 = arith.extui %and3A_59 : i1 to i32
          %cond3A_61 = arith.constant 0 : i32
          %cond3A_62 = arith.cmpi ne, %convert_element_type3A_60, %cond3A_61 : i32
          scf.if %cond3A_62 {
            %get3A_189 = arith.index_cast %sub3A_54 : i32 to index
            %get3A_190 = arith.constant 0 : index
            %get3A_191 = tpu.vector_load %arg7[%get3A_189, %get3A_190] {strides = array<i32>} : memref<256x32xf32, #tpu.memory_space<vmem>>, vector<1x16xf32>,
            %get3A_192 = vector.shape_cast %get3A_191 : vector<1x16xf32> to vector<16xf32>
            %get3A_193 = arith.index_cast %add3A_45 : i32 to index
            %get3A_194 = arith.constant 0 : index
            %get3A_195 = tpu.vector_load %arg9[%get3A_193, %get3A_194] {strides = array<i32>} : memref<256x32xf32, #tpu.memory_space<vmem>>, vector<1x16xf32>,
            %get3A_196 = vector.shape_cast %get3A_195 : vector<1x16xf32> to vector<16xf32>
            %add3A_197 = arith.addf %get3A_192, %get3A_196 : vector<16xf32>
            %swap3A = arith.index_cast %sub3A_54 : i32 to index
            %swap3A_198 = arith.constant 0 : index
            %swap3A_199 = tpu.vector_load %arg7[%swap3A, %swap3A_198] {strides = array<i32>} : memref<256x32xf32, #tpu.memory_space<vmem>>, vector<1x16xf32>,
            %swap3A_200 = vector.shape_cast %swap3A_199 : vector<1x16xf32> to vector<16xf32>
            %swap3A_201 = vector.shape_cast %add3A_197 : vector<16xf32> to vector<1x16xf32>
            tpu.vector_store %arg7[%swap3A, %swap3A_198], %swap3A_201 {strides = array<i32>} : memref<256x32xf32, #tpu.memory_space<vmem>>, vector<1x16xf32>,
            %get3A_202 = arith.index_cast %sub3A_54 : i32 to index
            %get3A_203 = arith.constant 16 : index
            %get3A_204 = tpu.vector_load %arg7[%get3A_202, %get3A_203] {strides = array<i32>} : memref<256x32xf32, #tpu.memory_space<vmem>>, vector<1x16xf32>,
            %get3A_205 = vector.shape_cast %get3A_204 : vector<1x16xf32> to vector<16xf32>
            %get3A_206 = arith.index_cast %add3A_45 : i32 to index
            %get3A_207 = arith.constant 16 : index
            %get3A_208 = tpu.vector_load %arg9[%get3A_206, %get3A_207] {strides = array<i32>} : memref<256x32xf32, #tpu.memory_space<vmem>>, vector<1x16xf32>,
            %get3A_209 = vector.shape_cast %get3A_208 : vector<1x16xf32> to vector<16xf32>
            %add3A_210 = arith.addf %get3A_205, %get3A_209 : vector<16xf32>
            %swap3A_211 = arith.index_cast %sub3A_54 : i32 to index
            %swap3A_212 = arith.constant 16 : index
            %swap3A_213 = tpu.vector_load %arg7[%swap3A_211, %swap3A_212] {strides = array<i32>} : memref<256x32xf32, #tpu.memory_space<vmem>>, vector<1x16xf32>,
            %swap3A_214 = vector.shape_cast %swap3A_213 : vector<1x16xf32> to vector<16xf32>
            %swap3A_215 = vector.shape_cast %add3A_210 : vector<16xf32> to vector<1x16xf32>
            tpu.vector_store %arg7[%swap3A_211, %swap3A_212], %swap3A_215 {strides = array<i32>} : memref<256x32xf32, #tpu.memory_space<vmem>>, vector<1x16xf32>,
          } else {
          }
          %mul3A_63 = arith.constant 8 : i32
          %mul3A_64 = arith.muli %scan3A_17, %mul3A_63 : i32
          %add3A_65 = arith.constant 2 : i32
          %add3A_66 = arith.addi %mul3A_64, %add3A_65 : i32
          %mul3A_67 = arith.constant 256 : i32
          %mul3A_68 = arith.muli %scan3A_8, %mul3A_67 : i32
          %add3A_69 = arith.addi %mul3A_68, %add3A_66 : i32
          %get3A_70 = arith.index_cast %add3A_69 : i32 to index
          %get3A_71 = tpu.vector_load %arg8[%get3A_70] {strides = array<i32>} : memref<4112xi32, #tpu.memory_space<vmem>>, vector<16xi32>,
          %get3A_72 = vector.shape_cast %get3A_71 : vector<16xi32> to vector<16xi32>
          %slice3A_73 = vector.extract_strided_slice %get3A_72 {offsets = [0], sizes = [1], strides = [1]} : vector<16xi32> to vector<1xi32>
          %squeeze3A_74 = vector.extract %slice3A_73[0] : i32 from vector<1xi32>
          %sub3A_75 = arith.subi %squeeze3A_74, %mul3A_2 : i32
          %ge3A_76 = arith.constant 0 : i32
          %ge3A_77 = arith.cmpi sge, %sub3A_75, %ge3A_76 : i32
          %lt3A_78 = arith.constant 256 : i32
          %lt3A_79 = arith.cmpi slt, %sub3A_75, %lt3A_78 : i32
          %and3A_80 = arith.andi %ge3A_77, %lt3A_79 : i1
          %convert_element_type3A_81 = arith.extui %and3A_80 : i1 to i32
          %cond3A_82 = arith.constant 0 : i32
          %cond3A_83 = arith.cmpi ne, %convert_element_type3A_81, %cond3A_82 : i32
          scf.if %cond3A_83 {
            %get3A_189 = arith.index_cast %sub3A_75 : i32 to index
            %get3A_190 = arith.constant 0 : index
            %get3A_191 = tpu.vector_load %arg7[%get3A_189, %get3A_190] {strides = array<i32>} : memref<256x32xf32, #tpu.memory_space<vmem>>, vector<1x16xf32>,
            %get3A_192 = vector.shape_cast %get3A_191 : vector<1x16xf32> to vector<16xf32>
            %get3A_193 = arith.index_cast %add3A_66 : i32 to index
            %get3A_194 = arith.constant 0 : index
            %get3A_195 = tpu.vector_load %arg9[%get3A_193, %get3A_194] {strides = array<i32>} : memref<256x32xf32, #tpu.memory_space<vmem>>, vector<1x16xf32>,
            %get3A_196 = vector.shape_cast %get3A_195 : vector<1x16xf32> to vector<16xf32>
            %add3A_197 = arith.addf %get3A_192, %get3A_196 : vector<16xf32>
            %swap3A = arith.index_cast %sub3A_75 : i32 to index
            %swap3A_198 = arith.constant 0 : index
            %swap3A_199 = tpu.vector_load %arg7[%swap3A, %swap3A_198] {strides = array<i32>} : memref<256x32xf32, #tpu.memory_space<vmem>>, vector<1x16xf32>,
            %swap3A_200 = vector.shape_cast %swap3A_199 : vector<1x16xf32> to vector<16xf32>
            %swap3A_201 = vector.shape_cast %add3A_197 : vector<16xf32> to vector<1x16xf32>
            tpu.vector_store %arg7[%swap3A, %swap3A_198], %swap3A_201 {strides = array<i32>} : memref<256x32xf32, #tpu.memory_space<vmem>>, vector<1x16xf32>,
            %get3A_202 = arith.index_cast %sub3A_75 : i32 to index
            %get3A_203 = arith.constant 16 : index
            %get3A_204 = tpu.vector_load %arg7[%get3A_202, %get3A_203] {strides = array<i32>} : memref<256x32xf32, #tpu.memory_space<vmem>>, vector<1x16xf32>,
            %get3A_205 = vector.shape_cast %get3A_204 : vector<1x16xf32> to vector<16xf32>
            %get3A_206 = arith.index_cast %add3A_66 : i32 to index
            %get3A_207 = arith.constant 16 : index
            %get3A_208 = tpu.vector_load %arg9[%get3A_206, %get3A_207] {strides = array<i32>} : memref<256x32xf32, #tpu.memory_space<vmem>>, vector<1x16xf32>,
            %get3A_209 = vector.shape_cast %get3A_208 : vector<1x16xf32> to vector<16xf32>
            %add3A_210 = arith.addf %get3A_205, %get3A_209 : vector<16xf32>
            %swap3A_211 = arith.index_cast %sub3A_75 : i32 to index
            %swap3A_212 = arith.constant 16 : index
            %swap3A_213 = tpu.vector_load %arg7[%swap3A_211, %swap3A_212] {strides = array<i32>} : memref<256x32xf32, #tpu.memory_space<vmem>>, vector<1x16xf32>,
            %swap3A_214 = vector.shape_cast %swap3A_213 : vector<1x16xf32> to vector<16xf32>
            %swap3A_215 = vector.shape_cast %add3A_210 : vector<16xf32> to vector<1x16xf32>
            tpu.vector_store %arg7[%swap3A_211, %swap3A_212], %swap3A_215 {strides = array<i32>} : memref<256x32xf32, #tpu.memory_space<vmem>>, vector<1x16xf32>,
          } else {
          }
          %mul3A_84 = arith.constant 8 : i32
          %mul3A_85 = arith.muli %scan3A_17, %mul3A_84 : i32
          %add3A_86 = arith.constant 3 : i32
          %add3A_87 = arith.addi %mul3A_85, %add3A_86 : i32
          %mul3A_88 = arith.constant 256 : i32
          %mul3A_89 = arith.muli %scan3A_8, %mul3A_88 : i32
          %add3A_90 = arith.addi %mul3A_89, %add3A_87 : i32
          %get3A_91 = arith.index_cast %add3A_90 : i32 to index
          %get3A_92 = tpu.vector_load %arg8[%get3A_91] {strides = array<i32>} : memref<4112xi32, #tpu.memory_space<vmem>>, vector<16xi32>,
          %get3A_93 = vector.shape_cast %get3A_92 : vector<16xi32> to vector<16xi32>
          %slice3A_94 = vector.extract_strided_slice %get3A_93 {offsets = [0], sizes = [1], strides = [1]} : vector<16xi32> to vector<1xi32>
          %squeeze3A_95 = vector.extract %slice3A_94[0] : i32 from vector<1xi32>
          %sub3A_96 = arith.subi %squeeze3A_95, %mul3A_2 : i32
          %ge3A_97 = arith.constant 0 : i32
          %ge3A_98 = arith.cmpi sge, %sub3A_96, %ge3A_97 : i32
          %lt3A_99 = arith.constant 256 : i32
          %lt3A_100 = arith.cmpi slt, %sub3A_96, %lt3A_99 : i32
          %and3A_101 = arith.andi %ge3A_98, %lt3A_100 : i1
          %convert_element_type3A_102 = arith.extui %and3A_101 : i1 to i32
          %cond3A_103 = arith.constant 0 : i32
          %cond3A_104 = arith.cmpi ne, %convert_element_type3A_102, %cond3A_103 : i32
          scf.if %cond3A_104 {
            %get3A_189 = arith.index_cast %sub3A_96 : i32 to index
            %get3A_190 = arith.constant 0 : index
            %get3A_191 = tpu.vector_load %arg7[%get3A_189, %get3A_190] {strides = array<i32>} : memref<256x32xf32, #tpu.memory_space<vmem>>, vector<1x16xf32>,
            %get3A_192 = vector.shape_cast %get3A_191 : vector<1x16xf32> to vector<16xf32>
            %get3A_193 = arith.index_cast %add3A_87 : i32 to index
            %get3A_194 = arith.constant 0 : index
            %get3A_195 = tpu.vector_load %arg9[%get3A_193, %get3A_194] {strides = array<i32>} : memref<256x32xf32, #tpu.memory_space<vmem>>, vector<1x16xf32>,
            %get3A_196 = vector.shape_cast %get3A_195 : vector<1x16xf32> to vector<16xf32>
            %add3A_197 = arith.addf %get3A_192, %get3A_196 : vector<16xf32>
            %swap3A = arith.index_cast %sub3A_96 : i32 to index
            %swap3A_198 = arith.constant 0 : index
            %swap3A_199 = tpu.vector_load %arg7[%swap3A, %swap3A_198] {strides = array<i32>} : memref<256x32xf32, #tpu.memory_space<vmem>>, vector<1x16xf32>,
            %swap3A_200 = vector.shape_cast %swap3A_199 : vector<1x16xf32> to vector<16xf32>
            %swap3A_201 = vector.shape_cast %add3A_197 : vector<16xf32> to vector<1x16xf32>
            tpu.vector_store %arg7[%swap3A, %swap3A_198], %swap3A_201 {strides = array<i32>} : memref<256x32xf32, #tpu.memory_space<vmem>>, vector<1x16xf32>,
            %get3A_202 = arith.index_cast %sub3A_96 : i32 to index
            %get3A_203 = arith.constant 16 : index
            %get3A_204 = tpu.vector_load %arg7[%get3A_202, %get3A_203] {strides = array<i32>} : memref<256x32xf32, #tpu.memory_space<vmem>>, vector<1x16xf32>,
            %get3A_205 = vector.shape_cast %get3A_204 : vector<1x16xf32> to vector<16xf32>
            %get3A_206 = arith.index_cast %add3A_87 : i32 to index
            %get3A_207 = arith.constant 16 : index
            %get3A_208 = tpu.vector_load %arg9[%get3A_206, %get3A_207] {strides = array<i32>} : memref<256x32xf32, #tpu.memory_space<vmem>>, vector<1x16xf32>,
            %get3A_209 = vector.shape_cast %get3A_208 : vector<1x16xf32> to vector<16xf32>
            %add3A_210 = arith.addf %get3A_205, %get3A_209 : vector<16xf32>
            %swap3A_211 = arith.index_cast %sub3A_96 : i32 to index
            %swap3A_212 = arith.constant 16 : index
            %swap3A_213 = tpu.vector_load %arg7[%swap3A_211, %swap3A_212] {strides = array<i32>} : memref<256x32xf32, #tpu.memory_space<vmem>>, vector<1x16xf32>,
            %swap3A_214 = vector.shape_cast %swap3A_213 : vector<1x16xf32> to vector<16xf32>
            %swap3A_215 = vector.shape_cast %add3A_210 : vector<16xf32> to vector<1x16xf32>
            tpu.vector_store %arg7[%swap3A_211, %swap3A_212], %swap3A_215 {strides = array<i32>} : memref<256x32xf32, #tpu.memory_space<vmem>>, vector<1x16xf32>,
          } else {
          }
          %mul3A_105 = arith.constant 8 : i32
          %mul3A_106 = arith.muli %scan3A_17, %mul3A_105 : i32
          %add3A_107 = arith.constant 4 : i32
          %add3A_108 = arith.addi %mul3A_106, %add3A_107 : i32
          %mul3A_109 = arith.constant 256 : i32
          %mul3A_110 = arith.muli %scan3A_8, %mul3A_109 : i32
          %add3A_111 = arith.addi %mul3A_110, %add3A_108 : i32
          %get3A_112 = arith.index_cast %add3A_111 : i32 to index
          %get3A_113 = tpu.vector_load %arg8[%get3A_112] {strides = array<i32>} : memref<4112xi32, #tpu.memory_space<vmem>>, vector<16xi32>,
          %get3A_114 = vector.shape_cast %get3A_113 : vector<16xi32> to vector<16xi32>
          %slice3A_115 = vector.extract_strided_slice %get3A_114 {offsets = [0], sizes = [1], strides = [1]} : vector<16xi32> to vector<1xi32>
          %squeeze3A_116 = vector.extract %slice3A_115[0] : i32 from vector<1xi32>
          %sub3A_117 = arith.subi %squeeze3A_116, %mul3A_2 : i32
          %ge3A_118 = arith.constant 0 : i32
          %ge3A_119 = arith.cmpi sge, %sub3A_117, %ge3A_118 : i32
          %lt3A_120 = arith.constant 256 : i32
          %lt3A_121 = arith.cmpi slt, %sub3A_117, %lt3A_120 : i32
          %and3A_122 = arith.andi %ge3A_119, %lt3A_121 : i1
          %convert_element_type3A_123 = arith.extui %and3A_122 : i1 to i32
          %cond3A_124 = arith.constant 0 : i32
          %cond3A_125 = arith.cmpi ne, %convert_element_type3A_123, %cond3A_124 : i32
          scf.if %cond3A_125 {
            %get3A_189 = arith.index_cast %sub3A_117 : i32 to index
            %get3A_190 = arith.constant 0 : index
            %get3A_191 = tpu.vector_load %arg7[%get3A_189, %get3A_190] {strides = array<i32>} : memref<256x32xf32, #tpu.memory_space<vmem>>, vector<1x16xf32>,
            %get3A_192 = vector.shape_cast %get3A_191 : vector<1x16xf32> to vector<16xf32>
            %get3A_193 = arith.index_cast %add3A_108 : i32 to index
            %get3A_194 = arith.constant 0 : index
            %get3A_195 = tpu.vector_load %arg9[%get3A_193, %get3A_194] {strides = array<i32>} : memref<256x32xf32, #tpu.memory_space<vmem>>, vector<1x16xf32>,
            %get3A_196 = vector.shape_cast %get3A_195 : vector<1x16xf32> to vector<16xf32>
            %add3A_197 = arith.addf %get3A_192, %get3A_196 : vector<16xf32>
            %swap3A = arith.index_cast %sub3A_117 : i32 to index
            %swap3A_198 = arith.constant 0 : index
            %swap3A_199 = tpu.vector_load %arg7[%swap3A, %swap3A_198] {strides = array<i32>} : memref<256x32xf32, #tpu.memory_space<vmem>>, vector<1x16xf32>,
            %swap3A_200 = vector.shape_cast %swap3A_199 : vector<1x16xf32> to vector<16xf32>
            %swap3A_201 = vector.shape_cast %add3A_197 : vector<16xf32> to vector<1x16xf32>
            tpu.vector_store %arg7[%swap3A, %swap3A_198], %swap3A_201 {strides = array<i32>} : memref<256x32xf32, #tpu.memory_space<vmem>>, vector<1x16xf32>,
            %get3A_202 = arith.index_cast %sub3A_117 : i32 to index
            %get3A_203 = arith.constant 16 : index
            %get3A_204 = tpu.vector_load %arg7[%get3A_202, %get3A_203] {strides = array<i32>} : memref<256x32xf32, #tpu.memory_space<vmem>>, vector<1x16xf32>,
            %get3A_205 = vector.shape_cast %get3A_204 : vector<1x16xf32> to vector<16xf32>
            %get3A_206 = arith.index_cast %add3A_108 : i32 to index
            %get3A_207 = arith.constant 16 : index
            %get3A_208 = tpu.vector_load %arg9[%get3A_206, %get3A_207] {strides = array<i32>} : memref<256x32xf32, #tpu.memory_space<vmem>>, vector<1x16xf32>,
            %get3A_209 = vector.shape_cast %get3A_208 : vector<1x16xf32> to vector<16xf32>
            %add3A_210 = arith.addf %get3A_205, %get3A_209 : vector<16xf32>
            %swap3A_211 = arith.index_cast %sub3A_117 : i32 to index
            %swap3A_212 = arith.constant 16 : index
            %swap3A_213 = tpu.vector_load %arg7[%swap3A_211, %swap3A_212] {strides = array<i32>} : memref<256x32xf32, #tpu.memory_space<vmem>>, vector<1x16xf32>,
            %swap3A_214 = vector.shape_cast %swap3A_213 : vector<1x16xf32> to vector<16xf32>
            %swap3A_215 = vector.shape_cast %add3A_210 : vector<16xf32> to vector<1x16xf32>
            tpu.vector_store %arg7[%swap3A_211, %swap3A_212], %swap3A_215 {strides = array<i32>} : memref<256x32xf32, #tpu.memory_space<vmem>>, vector<1x16xf32>,
          } else {
          }
          %mul3A_126 = arith.constant 8 : i32
          %mul3A_127 = arith.muli %scan3A_17, %mul3A_126 : i32
          %add3A_128 = arith.constant 5 : i32
          %add3A_129 = arith.addi %mul3A_127, %add3A_128 : i32
          %mul3A_130 = arith.constant 256 : i32
          %mul3A_131 = arith.muli %scan3A_8, %mul3A_130 : i32
          %add3A_132 = arith.addi %mul3A_131, %add3A_129 : i32
          %get3A_133 = arith.index_cast %add3A_132 : i32 to index
          %get3A_134 = tpu.vector_load %arg8[%get3A_133] {strides = array<i32>} : memref<4112xi32, #tpu.memory_space<vmem>>, vector<16xi32>,
          %get3A_135 = vector.shape_cast %get3A_134 : vector<16xi32> to vector<16xi32>
          %slice3A_136 = vector.extract_strided_slice %get3A_135 {offsets = [0], sizes = [1], strides = [1]} : vector<16xi32> to vector<1xi32>
          %squeeze3A_137 = vector.extract %slice3A_136[0] : i32 from vector<1xi32>
          %sub3A_138 = arith.subi %squeeze3A_137, %mul3A_2 : i32
          %ge3A_139 = arith.constant 0 : i32
          %ge3A_140 = arith.cmpi sge, %sub3A_138, %ge3A_139 : i32
          %lt3A_141 = arith.constant 256 : i32
          %lt3A_142 = arith.cmpi slt, %sub3A_138, %lt3A_141 : i32
          %and3A_143 = arith.andi %ge3A_140, %lt3A_142 : i1
          %convert_element_type3A_144 = arith.extui %and3A_143 : i1 to i32
          %cond3A_145 = arith.constant 0 : i32
          %cond3A_146 = arith.cmpi ne, %convert_element_type3A_144, %cond3A_145 : i32
          scf.if %cond3A_146 {
            %get3A_189 = arith.index_cast %sub3A_138 : i32 to index
            %get3A_190 = arith.constant 0 : index
            %get3A_191 = tpu.vector_load %arg7[%get3A_189, %get3A_190] {strides = array<i32>} : memref<256x32xf32, #tpu.memory_space<vmem>>, vector<1x16xf32>,
            %get3A_192 = vector.shape_cast %get3A_191 : vector<1x16xf32> to vector<16xf32>
            %get3A_193 = arith.index_cast %add3A_129 : i32 to index
            %get3A_194 = arith.constant 0 : index
            %get3A_195 = tpu.vector_load %arg9[%get3A_193, %get3A_194] {strides = array<i32>} : memref<256x32xf32, #tpu.memory_space<vmem>>, vector<1x16xf32>,
            %get3A_196 = vector.shape_cast %get3A_195 : vector<1x16xf32> to vector<16xf32>
            %add3A_197 = arith.addf %get3A_192, %get3A_196 : vector<16xf32>
            %swap3A = arith.index_cast %sub3A_138 : i32 to index
            %swap3A_198 = arith.constant 0 : index
            %swap3A_199 = tpu.vector_load %arg7[%swap3A, %swap3A_198] {strides = array<i32>} : memref<256x32xf32, #tpu.memory_space<vmem>>, vector<1x16xf32>,
            %swap3A_200 = vector.shape_cast %swap3A_199 : vector<1x16xf32> to vector<16xf32>
            %swap3A_201 = vector.shape_cast %add3A_197 : vector<16xf32> to vector<1x16xf32>
            tpu.vector_store %arg7[%swap3A, %swap3A_198], %swap3A_201 {strides = array<i32>} : memref<256x32xf32, #tpu.memory_space<vmem>>, vector<1x16xf32>,
            %get3A_202 = arith.index_cast %sub3A_138 : i32 to index
            %get3A_203 = arith.constant 16 : index
            %get3A_204 = tpu.vector_load %arg7[%get3A_202, %get3A_203] {strides = array<i32>} : memref<256x32xf32, #tpu.memory_space<vmem>>, vector<1x16xf32>,
            %get3A_205 = vector.shape_cast %get3A_204 : vector<1x16xf32> to vector<16xf32>
            %get3A_206 = arith.index_cast %add3A_129 : i32 to index
            %get3A_207 = arith.constant 16 : index
            %get3A_208 = tpu.vector_load %arg9[%get3A_206, %get3A_207] {strides = array<i32>} : memref<256x32xf32, #tpu.memory_space<vmem>>, vector<1x16xf32>,
            %get3A_209 = vector.shape_cast %get3A_208 : vector<1x16xf32> to vector<16xf32>
            %add3A_210 = arith.addf %get3A_205, %get3A_209 : vector<16xf32>
            %swap3A_211 = arith.index_cast %sub3A_138 : i32 to index
            %swap3A_212 = arith.constant 16 : index
            %swap3A_213 = tpu.vector_load %arg7[%swap3A_211, %swap3A_212] {strides = array<i32>} : memref<256x32xf32, #tpu.memory_space<vmem>>, vector<1x16xf32>,
            %swap3A_214 = vector.shape_cast %swap3A_213 : vector<1x16xf32> to vector<16xf32>
            %swap3A_215 = vector.shape_cast %add3A_210 : vector<16xf32> to vector<1x16xf32>
            tpu.vector_store %arg7[%swap3A_211, %swap3A_212], %swap3A_215 {strides = array<i32>} : memref<256x32xf32, #tpu.memory_space<vmem>>, vector<1x16xf32>,
          } else {
          }
          %mul3A_147 = arith.constant 8 : i32
          %mul3A_148 = arith.muli %scan3A_17, %mul3A_147 : i32
          %add3A_149 = arith.constant 6 : i32
          %add3A_150 = arith.addi %mul3A_148, %add3A_149 : i32
          %mul3A_151 = arith.constant 256 : i32
          %mul3A_152 = arith.muli %scan3A_8, %mul3A_151 : i32
          %add3A_153 = arith.addi %mul3A_152, %add3A_150 : i32
          %get3A_154 = arith.index_cast %add3A_153 : i32 to index
          %get3A_155 = tpu.vector_load %arg8[%get3A_154] {strides = array<i32>} : memref<4112xi32, #tpu.memory_space<vmem>>, vector<16xi32>,
          %get3A_156 = vector.shape_cast %get3A_155 : vector<16xi32> to vector<16xi32>
          %slice3A_157 = vector.extract_strided_slice %get3A_156 {offsets = [0], sizes = [1], strides = [1]} : vector<16xi32> to vector<1xi32>
          %squeeze3A_158 = vector.extract %slice3A_157[0] : i32 from vector<1xi32>
          %sub3A_159 = arith.subi %squeeze3A_158, %mul3A_2 : i32
          %ge3A_160 = arith.constant 0 : i32
          %ge3A_161 = arith.cmpi sge, %sub3A_159, %ge3A_160 : i32
          %lt3A_162 = arith.constant 256 : i32
          %lt3A_163 = arith.cmpi slt, %sub3A_159, %lt3A_162 : i32
          %and3A_164 = arith.andi %ge3A_161, %lt3A_163 : i1
          %convert_element_type3A_165 = arith.extui %and3A_164 : i1 to i32
          %cond3A_166 = arith.constant 0 : i32
          %cond3A_167 = arith.cmpi ne, %convert_element_type3A_165, %cond3A_166 : i32
          scf.if %cond3A_167 {
            %get3A_189 = arith.index_cast %sub3A_159 : i32 to index
            %get3A_190 = arith.constant 0 : index
            %get3A_191 = tpu.vector_load %arg7[%get3A_189, %get3A_190] {strides = array<i32>} : memref<256x32xf32, #tpu.memory_space<vmem>>, vector<1x16xf32>,
            %get3A_192 = vector.shape_cast %get3A_191 : vector<1x16xf32> to vector<16xf32>
            %get3A_193 = arith.index_cast %add3A_150 : i32 to index
            %get3A_194 = arith.constant 0 : index
            %get3A_195 = tpu.vector_load %arg9[%get3A_193, %get3A_194] {strides = array<i32>} : memref<256x32xf32, #tpu.memory_space<vmem>>, vector<1x16xf32>,
            %get3A_196 = vector.shape_cast %get3A_195 : vector<1x16xf32> to vector<16xf32>
            %add3A_197 = arith.addf %get3A_192, %get3A_196 : vector<16xf32>
            %swap3A = arith.index_cast %sub3A_159 : i32 to index
            %swap3A_198 = arith.constant 0 : index
            %swap3A_199 = tpu.vector_load %arg7[%swap3A, %swap3A_198] {strides = array<i32>} : memref<256x32xf32, #tpu.memory_space<vmem>>, vector<1x16xf32>,
            %swap3A_200 = vector.shape_cast %swap3A_199 : vector<1x16xf32> to vector<16xf32>
            %swap3A_201 = vector.shape_cast %add3A_197 : vector<16xf32> to vector<1x16xf32>
            tpu.vector_store %arg7[%swap3A, %swap3A_198], %swap3A_201 {strides = array<i32>} : memref<256x32xf32, #tpu.memory_space<vmem>>, vector<1x16xf32>,
            %get3A_202 = arith.index_cast %sub3A_159 : i32 to index
            %get3A_203 = arith.constant 16 : index
            %get3A_204 = tpu.vector_load %arg7[%get3A_202, %get3A_203] {strides = array<i32>} : memref<256x32xf32, #tpu.memory_space<vmem>>, vector<1x16xf32>,
            %get3A_205 = vector.shape_cast %get3A_204 : vector<1x16xf32> to vector<16xf32>
            %get3A_206 = arith.index_cast %add3A_150 : i32 to index
            %get3A_207 = arith.constant 16 : index
            %get3A_208 = tpu.vector_load %arg9[%get3A_206, %get3A_207] {strides = array<i32>} : memref<256x32xf32, #tpu.memory_space<vmem>>, vector<1x16xf32>,
            %get3A_209 = vector.shape_cast %get3A_208 : vector<1x16xf32> to vector<16xf32>
            %add3A_210 = arith.addf %get3A_205, %get3A_209 : vector<16xf32>
            %swap3A_211 = arith.index_cast %sub3A_159 : i32 to index
            %swap3A_212 = arith.constant 16 : index
            %swap3A_213 = tpu.vector_load %arg7[%swap3A_211, %swap3A_212] {strides = array<i32>} : memref<256x32xf32, #tpu.memory_space<vmem>>, vector<1x16xf32>,
            %swap3A_214 = vector.shape_cast %swap3A_213 : vector<1x16xf32> to vector<16xf32>
            %swap3A_215 = vector.shape_cast %add3A_210 : vector<16xf32> to vector<1x16xf32>
            tpu.vector_store %arg7[%swap3A_211, %swap3A_212], %swap3A_215 {strides = array<i32>} : memref<256x32xf32, #tpu.memory_space<vmem>>, vector<1x16xf32>,
          } else {
          }
          %mul3A_168 = arith.constant 8 : i32
          %mul3A_169 = arith.muli %scan3A_17, %mul3A_168 : i32
          %add3A_170 = arith.constant 7 : i32
          %add3A_171 = arith.addi %mul3A_169, %add3A_170 : i32
          %mul3A_172 = arith.constant 256 : i32
          %mul3A_173 = arith.muli %scan3A_8, %mul3A_172 : i32
          %add3A_174 = arith.addi %mul3A_173, %add3A_171 : i32
          %get3A_175 = arith.index_cast %add3A_174 : i32 to index
          %get3A_176 = tpu.vector_load %arg8[%get3A_175] {strides = array<i32>} : memref<4112xi32, #tpu.memory_space<vmem>>, vector<16xi32>,
          %get3A_177 = vector.shape_cast %get3A_176 : vector<16xi32> to vector<16xi32>
          %slice3A_178 = vector.extract_strided_slice %get3A_177 {offsets = [0], sizes = [1], strides = [1]} : vector<16xi32> to vector<1xi32>
          %squeeze3A_179 = vector.extract %slice3A_178[0] : i32 from vector<1xi32>
          %sub3A_180 = arith.subi %squeeze3A_179, %mul3A_2 : i32
          %ge3A_181 = arith.constant 0 : i32
          %ge3A_182 = arith.cmpi sge, %sub3A_180, %ge3A_181 : i32
          %lt3A_183 = arith.constant 256 : i32
          %lt3A_184 = arith.cmpi slt, %sub3A_180, %lt3A_183 : i32
          %and3A_185 = arith.andi %ge3A_182, %lt3A_184 : i1
          %convert_element_type3A_186 = arith.extui %and3A_185 : i1 to i32
          %cond3A_187 = arith.constant 0 : i32
          %cond3A_188 = arith.cmpi ne, %convert_element_type3A_186, %cond3A_187 : i32
          scf.if %cond3A_188 {
            %get3A_189 = arith.index_cast %sub3A_180 : i32 to index
            %get3A_190 = arith.constant 0 : index
            %get3A_191 = tpu.vector_load %arg7[%get3A_189, %get3A_190] {strides = array<i32>} : memref<256x32xf32, #tpu.memory_space<vmem>>, vector<1x16xf32>,
            %get3A_192 = vector.shape_cast %get3A_191 : vector<1x16xf32> to vector<16xf32>
            %get3A_193 = arith.index_cast %add3A_171 : i32 to index
            %get3A_194 = arith.constant 0 : index
            %get3A_195 = tpu.vector_load %arg9[%get3A_193, %get3A_194] {strides = array<i32>} : memref<256x32xf32, #tpu.memory_space<vmem>>, vector<1x16xf32>,
            %get3A_196 = vector.shape_cast %get3A_195 : vector<1x16xf32> to vector<16xf32>
            %add3A_197 = arith.addf %get3A_192, %get3A_196 : vector<16xf32>
            %swap3A = arith.index_cast %sub3A_180 : i32 to index
            %swap3A_198 = arith.constant 0 : index
            %swap3A_199 = tpu.vector_load %arg7[%swap3A, %swap3A_198] {strides = array<i32>} : memref<256x32xf32, #tpu.memory_space<vmem>>, vector<1x16xf32>,
            %swap3A_200 = vector.shape_cast %swap3A_199 : vector<1x16xf32> to vector<16xf32>
            %swap3A_201 = vector.shape_cast %add3A_197 : vector<16xf32> to vector<1x16xf32>
            tpu.vector_store %arg7[%swap3A, %swap3A_198], %swap3A_201 {strides = array<i32>} : memref<256x32xf32, #tpu.memory_space<vmem>>, vector<1x16xf32>,
            %get3A_202 = arith.index_cast %sub3A_180 : i32 to index
            %get3A_203 = arith.constant 16 : index
            %get3A_204 = tpu.vector_load %arg7[%get3A_202, %get3A_203] {strides = array<i32>} : memref<256x32xf32, #tpu.memory_space<vmem>>, vector<1x16xf32>,
            %get3A_205 = vector.shape_cast %get3A_204 : vector<1x16xf32> to vector<16xf32>
            %get3A_206 = arith.index_cast %add3A_171 : i32 to index
            %get3A_207 = arith.constant 16 : index
            %get3A_208 = tpu.vector_load %arg9[%get3A_206, %get3A_207] {strides = array<i32>} : memref<256x32xf32, #tpu.memory_space<vmem>>, vector<1x16xf32>,
            %get3A_209 = vector.shape_cast %get3A_208 : vector<1x16xf32> to vector<16xf32>
            %add3A_210 = arith.addf %get3A_205, %get3A_209 : vector<16xf32>
            %swap3A_211 = arith.index_cast %sub3A_180 : i32 to index
            %swap3A_212 = arith.constant 16 : index
            %swap3A_213 = tpu.vector_load %arg7[%swap3A_211, %swap3A_212] {strides = array<i32>} : memref<256x32xf32, #tpu.memory_space<vmem>>, vector<1x16xf32>,
            %swap3A_214 = vector.shape_cast %swap3A_213 : vector<1x16xf32> to vector<16xf32>
            %swap3A_215 = vector.shape_cast %add3A_210 : vector<16xf32> to vector<1x16xf32>
            tpu.vector_store %arg7[%swap3A_211, %swap3A_212], %swap3A_215 {strides = array<i32>} : memref<256x32xf32, #tpu.memory_space<vmem>>, vector<1x16xf32>,
          } else {
          }
        } else {
        }
      }
      %scan3A_16 = arith.constant 32 : i32
    }
    %scan3A_7 = arith.constant 16 : i32
    "tpu.region"() ({
      %run_scoped3A = tpu.sem_alloc : memref<!tpu.dma_semaphore, #tpu.memory_space<semaphore_mem>>
      %dma_start3A = arith.constant 0 : i32
      %dma_start3A_8 = tpu.memref_slice %arg6[%mul3A_2, %dma_start3A] : memref<8192x32xf32, #tpu.memory_space<hbm>> -> memref<256x32xf32, #tpu.memory_space<hbm>>
      %dma_start3A_9 = arith.constant 0 : i32
      %dma_start3A_10 = tpu.memref_slice %arg6[%mul3A_2, %dma_start3A_9] : memref<8192x32xf32, #tpu.memory_space<hbm>> -> memref<256x32xf32, #tpu.memory_space<hbm>>
      tpu.enqueue_dma source(%arg7 : memref<256x32xf32, #tpu.memory_space<vmem>>) target(%dma_start3A_10 : memref<256x32xf32, #tpu.memory_space<hbm>>) target_semaphore(%run_scoped3A : memref<!tpu.dma_semaphore, #tpu.memory_space<semaphore_mem>>)
      %dma_wait3A = arith.constant 0 : i32
      %dma_wait3A_11 = tpu.memref_slice %arg6[%mul3A_2, %dma_wait3A] : memref<8192x32xf32, #tpu.memory_space<hbm>> -> memref<256x32xf32, #tpu.memory_space<hbm>>
      %dma_wait3A_12 = arith.constant 0 : i32
      %dma_wait3A_13 = tpu.memref_slice %arg6[%mul3A_2, %dma_wait3A_12] : memref<8192x32xf32, #tpu.memory_space<hbm>> -> memref<256x32xf32, #tpu.memory_space<hbm>>
      tpu.wait_dma2 semaphore(%run_scoped3A : memref<!tpu.dma_semaphore, #tpu.memory_space<semaphore_mem>>) src(%arg7 : memref<256x32xf32, #tpu.memory_space<vmem>>) dst(%dma_wait3A_13 : memref<256x32xf32, #tpu.memory_space<hbm>>)
      tpu.yield
    }) : () -> ()
    return
  }
}

module attributes {stable_mosaic.version = 14 : i64} {
  func.func @_weights_body(%arg0: i32, %arg1: memref<512x1xi32, #tpu.memory_space<vmem>>, %arg2: memref<1x4096xi32, #tpu.memory_space<vmem>>, %arg3: memref<512x32xf32, #tpu.memory_space<vmem>>, %arg4: memref<1024x32xf32, #tpu.memory_space<vmem>>, %arg5: memref<512x32xf32, #tpu.memory_space<vmem>>, %arg6: memref<1024x32xf32, #tpu.memory_space<vmem>>, %arg7: memref<1x32x64xf32, #tpu.memory_space<vmem>>) attributes {dimension_semantics = [#tpu.dimension_semantics<arbitrary>], iteration_bounds = array<i64: 8>, scalar_prefetch = 0 : i64, scratch_operands = 0 : i64, tpu.core_type = #tpu.core_type<tc>, window_params = [{transform_indices = @transform_0, window_bounds = array<i64: 512, 1>}, {pipeline_mode = #tpu.pipeline_mode<synchronous>, transform_indices = @transform_1, window_bounds = array<i64: 1, 4096>}, {transform_indices = @transform_2, window_bounds = array<i64: 512, 32>}, {transform_indices = @transform_3, window_bounds = array<i64: 1024, 32>}, {transform_indices = @transform_4, window_bounds = array<i64: 512, 32>}, {transform_indices = @transform_5, window_bounds = array<i64: 1024, 32>}, {transform_indices = @transform_6, window_bounds = array<i64: 1, 32, 64>}]} {
    %get3A = arith.constant 0 : index
    %get3A_0 = arith.constant 0 : index
    %get3A_1 = vector.load %arg1[%get3A, %get3A_0] : memref<512x1xi32, #tpu.memory_space<vmem>>, vector<512x1xi32>
    %mul3A = arith.constant 512 : i32
    %mul3A_2 = arith.muli %arg0, %mul3A : i32
    %iota3A = tpu.iota {dimensions = array<i32: 0>} : vector<512x1xi32>
    %add3A = vector.broadcast %mul3A_2 : i32 to vector<512x1xi32>
    %add3A_3 = arith.addi %add3A, %iota3A : vector<512x1xi32>
    %broadcast_in_dim3A = arith.constant 0.000000e+00 : f32
    %broadcast_in_dim3A_4 = vector.broadcast %broadcast_in_dim3A : f32 to vector<512x1xf32>
    %scan3A = arith.constant 0 : i32
    %scan3A_5 = arith.constant 4 : i32
    %scan3A_6 = arith.addi %scan3A, %scan3A_5 : i32
    %scan3A_7 = arith.constant 1 : i32
    %scan3A_8 = scf.for %scan3A_101 = %scan3A to %scan3A_6 step %scan3A_7 iter_args(%scan3A_102 = %broadcast_in_dim3A_4) -> (vector<512x1xf32>)  : i32 {
      %mul3A_103 = arith.constant 1024 : i32
      %mul3A_104 = arith.muli %scan3A_101, %mul3A_103 : i32
      %get3A_105 = arith.constant 0 : index
      %get3A_106 = arith.index_cast %mul3A_104 : i32 to index
      %get3A_107 = vector.load %arg2[%get3A_105, %get3A_106] : memref<1x4096xi32, #tpu.memory_space<vmem>>, vector<1x1024xi32>
      %mul3A_108 = arith.constant 1024 : i32
      %mul3A_109 = arith.muli %scan3A_101, %mul3A_108 : i32
      %iota3A_110 = tpu.iota {dimensions = array<i32: 1>} : vector<1x1024xi32>
      %add3A_111 = vector.broadcast %mul3A_109 : i32 to vector<1x1024xi32>
      %add3A_112 = arith.addi %add3A_111, %iota3A_110 : vector<1x1024xi32>
      %eq3A_113 = vector.broadcast %get3A_1 : vector<512x1xi32> to vector<512x1024xi32>
      %eq3A_114 = vector.broadcast %get3A_107 : vector<1x1024xi32> to vector<512x1024xi32>
      %eq3A_115 = arith.cmpi eq, %eq3A_113, %eq3A_114 : vector<512x1024xi32>
      %gt3A = vector.broadcast %add3A_112 : vector<1x1024xi32> to vector<512x1024xi32>
      %gt3A_116 = vector.broadcast %add3A_3 : vector<512x1xi32> to vector<512x1024xi32>
      %gt3A_117 = arith.cmpi sgt, %gt3A, %gt3A_116 : vector<512x1024xi32>
      %and3A_118 = arith.andi %eq3A_115, %gt3A_117 : vector<512x1024xi1>
      %jit3A_119 = arith.constant 1.000000e+00 : f32
      %jit3A_120 = arith.constant 0.000000e+00 : f32
      %broadcast_in_dim3A_121 = vector.broadcast %jit3A_119 : f32 to vector<512x1024xf32>
      %broadcast_in_dim3A_122 = vector.broadcast %jit3A_120 : f32 to vector<512x1024xf32>
      %select_n3A_123 = arith.select %and3A_118, %broadcast_in_dim3A_121, %broadcast_in_dim3A_122 : vector<512x1024xi1>, vector<512x1024xf32>
      %reduce_sum3A = arith.constant dense<0.000000e+00> : vector<512xf32>
      %reduce_sum3A_124 = vector.multi_reduction <add>, %select_n3A_123, %reduce_sum3A [1] : vector<512x1024xf32> to vector<512xf32>
      %broadcast_in_dim3A_125 = vector.shape_cast %reduce_sum3A_124 : vector<512xf32> to vector<512x1xf32>
      %add3A_126 = arith.addf %scan3A_102, %broadcast_in_dim3A_125 : vector<512x1xf32>
      scf.yield %add3A_126 : vector<512x1xf32>
    }
    %scan3A_9 = arith.constant 4 : i32
    %mul3A_10 = arith.constant -0.105360515 : f32
    %mul3A_11 = vector.broadcast %mul3A_10 : f32 to vector<512x1xf32>
    %mul3A_12 = arith.mulf %scan3A_8, %mul3A_11 : vector<512x1xf32>
    %exp3A = math.exp %mul3A_12 : vector<512x1xf32>
    %mul3A_13 = arith.constant 1.000000e-01 : f32
    %mul3A_14 = vector.broadcast %mul3A_13 : f32 to vector<512x1xf32>
    %mul3A_15 = arith.mulf %mul3A_14, %exp3A : vector<512x1xf32>
    %get3A_16 = arith.constant 0 : index
    %get3A_17 = arith.constant 0 : index
    %get3A_18 = vector.load %arg3[%get3A_16, %get3A_17] : memref<512x32xf32, #tpu.memory_space<vmem>>, vector<512x32xf32>
    %mul3A_19 = vector.broadcast %mul3A_15 : vector<512x1xf32> to vector<512x32xf32>
    %mul3A_20 = arith.mulf %get3A_18, %mul3A_19 : vector<512x32xf32>
    %swap3A = arith.constant 0 : index
    %swap3A_21 = arith.constant 0 : index
    %swap3A_22 = vector.load %arg5[%swap3A, %swap3A_21] : memref<512x32xf32, #tpu.memory_space<vmem>>, vector<512x32xf32>
    tpu.vector_store %arg5[%swap3A, %swap3A_21], %mul3A_20 {strides = array<i32>} : memref<512x32xf32, #tpu.memory_space<vmem>>, vector<512x32xf32>,
    %mul3A_23 = arith.constant 1024 : i32
    %mul3A_24 = arith.muli %arg0, %mul3A_23 : i32
    %iota3A_25 = tpu.iota {dimensions = array<i32: 0>} : vector<1024x1xi32>
    %add3A_26 = vector.broadcast %mul3A_24 : i32 to vector<1024x1xi32>
    %add3A_27 = arith.addi %add3A_26, %iota3A_25 : vector<1024x1xi32>
    %broadcast_in_dim3A_28 = arith.constant 0.000000e+00 : f32
    %broadcast_in_dim3A_29 = vector.broadcast %broadcast_in_dim3A_28 : f32 to vector<1024x1xf32>
    %scan3A_30 = arith.constant 0 : i32
    %scan3A_31 = arith.constant 4 : i32
    %scan3A_32 = arith.addi %scan3A_30, %scan3A_31 : i32
    %scan3A_33 = arith.constant 1 : i32
    %scan3A_34 = scf.for %scan3A_101 = %scan3A_30 to %scan3A_32 step %scan3A_33 iter_args(%scan3A_102 = %broadcast_in_dim3A_29) -> (vector<1024x1xf32>)  : i32 {
      %mul3A_103 = arith.constant 1024 : i32
      %mul3A_104 = arith.muli %scan3A_101, %mul3A_103 : i32
      %get3A_105 = arith.constant 0 : index
      %get3A_106 = arith.index_cast %mul3A_104 : i32 to index
      %get3A_107 = vector.load %arg2[%get3A_105, %get3A_106] : memref<1x4096xi32, #tpu.memory_space<vmem>>, vector<1x1024xi32>
      %eq3A_108 = vector.broadcast %add3A_27 : vector<1024x1xi32> to vector<1024x1024xi32>
      %eq3A_109 = vector.broadcast %get3A_107 : vector<1x1024xi32> to vector<1024x1024xi32>
      %eq3A_110 = arith.cmpi eq, %eq3A_108, %eq3A_109 : vector<1024x1024xi32>
      %jit3A_111 = arith.constant 1.000000e+00 : f32
      %jit3A_112 = arith.constant 0.000000e+00 : f32
      %broadcast_in_dim3A_113 = vector.broadcast %jit3A_111 : f32 to vector<1024x1024xf32>
      %broadcast_in_dim3A_114 = vector.broadcast %jit3A_112 : f32 to vector<1024x1024xf32>
      %select_n3A_115 = arith.select %eq3A_110, %broadcast_in_dim3A_113, %broadcast_in_dim3A_114 : vector<1024x1024xi1>, vector<1024x1024xf32>
      %reduce_sum3A = arith.constant dense<0.000000e+00> : vector<1024xf32>
      %reduce_sum3A_116 = vector.multi_reduction <add>, %select_n3A_115, %reduce_sum3A [1] : vector<1024x1024xf32> to vector<1024xf32>
      %broadcast_in_dim3A_117 = vector.shape_cast %reduce_sum3A_116 : vector<1024xf32> to vector<1024x1xf32>
      %add3A_118 = arith.addf %scan3A_102, %broadcast_in_dim3A_117 : vector<1024x1xf32>
      scf.yield %add3A_118 : vector<1024x1xf32>
    }
    %scan3A_35 = arith.constant 4 : i32
    %get3A_36 = arith.constant 0 : index
    %get3A_37 = arith.constant 0 : index
    %get3A_38 = vector.load %arg4[%get3A_36, %get3A_37] : memref<1024x32xf32, #tpu.memory_space<vmem>>, vector<1024x32xf32>
    %mul3A_39 = arith.constant -0.105360515 : f32
    %mul3A_40 = vector.broadcast %mul3A_39 : f32 to vector<1024x1xf32>
    %mul3A_41 = arith.mulf %scan3A_34, %mul3A_40 : vector<1024x1xf32>
    %exp3A_42 = math.exp %mul3A_41 : vector<1024x1xf32>
    %mul3A_43 = vector.broadcast %exp3A_42 : vector<1024x1xf32> to vector<1024x32xf32>
    %mul3A_44 = arith.mulf %get3A_38, %mul3A_43 : vector<1024x32xf32>
    %swap3A_45 = arith.constant 0 : index
    %swap3A_46 = arith.constant 0 : index
    %swap3A_47 = vector.load %arg6[%swap3A_45, %swap3A_46] : memref<1024x32xf32, #tpu.memory_space<vmem>>, vector<1024x32xf32>
    tpu.vector_store %arg6[%swap3A_45, %swap3A_46], %mul3A_44 {strides = array<i32>} : memref<1024x32xf32, #tpu.memory_space<vmem>>, vector<1024x32xf32>,
    %mul3A_48 = arith.constant 512 : i32
    %mul3A_49 = arith.muli %arg0, %mul3A_48 : i32
    %get3A_50 = arith.constant 0 : index
    %get3A_51 = arith.index_cast %mul3A_49 : i32 to index
    %get3A_52 = vector.load %arg2[%get3A_50, %get3A_51] : memref<1x4096xi32, #tpu.memory_space<vmem>>, vector<1x512xi32>
    %iota3A_53 = tpu.iota {dimensions = array<i32: 0>} : vector<32x1xi32>
    %shift_right_logical3A = arith.constant 8 : i32
    %shift_right_logical3A_54 = vector.broadcast %shift_right_logical3A : i32 to vector<1x512xi32>
    %shift_right_logical3A_55 = arith.shrui %get3A_52, %shift_right_logical3A_54 : vector<1x512xi32>
    %eq3A = vector.broadcast %iota3A_53 : vector<32x1xi32> to vector<32x512xi32>
    %eq3A_56 = vector.broadcast %shift_right_logical3A_55 : vector<1x512xi32> to vector<32x512xi32>
    %eq3A_57 = arith.cmpi eq, %eq3A, %eq3A_56 : vector<32x512xi32>
    %jit3A = arith.constant 1.000000e+00 : f32
    %jit3A_58 = arith.constant 0.000000e+00 : f32
    %broadcast_in_dim3A_59 = vector.broadcast %jit3A : f32 to vector<32x512xf32>
    %broadcast_in_dim3A_60 = vector.broadcast %jit3A_58 : f32 to vector<32x512xf32>
    %select_n3A = arith.select %eq3A_57, %broadcast_in_dim3A_59, %broadcast_in_dim3A_60 : vector<32x512xi1>, vector<32x512xf32>
    %iota3A_61 = tpu.iota {dimensions = array<i32: 0>} : vector<512x1xi32>
    %jit3A_62 = arith.constant 8 : i32
    %div3A = vector.broadcast %jit3A_62 : i32 to vector<512x1xi32>
    %div3A_63 = arith.divsi %iota3A_61, %div3A : vector<512x1xi32>
    %sign3A = arith.constant 0 : i32
    %sign3A_64 = vector.broadcast %sign3A : i32 to vector<512x1xi32>
    %sign3A_65 = arith.cmpi sgt, %iota3A_61, %sign3A_64 : vector<512x1xi32>
    %sign3A_66 = arith.extui %sign3A_65 : vector<512x1xi1> to vector<512x1xi32>
    %sign3A_67 = arith.constant 0 : i32
    %sign3A_68 = vector.broadcast %sign3A_67 : i32 to vector<512x1xi32>
    %sign3A_69 = arith.cmpi slt, %iota3A_61, %sign3A_68 : vector<512x1xi32>
    %sign3A_70 = arith.extui %sign3A_69 : vector<512x1xi1> to vector<512x1xi32>
    %sign3A_71 = arith.subi %sign3A_66, %sign3A_70 : vector<512x1xi32>
    %sign3A_72 = arith.constant 0 : i32
    %sign3A_73 = arith.cmpi sgt, %jit3A_62, %sign3A_72 : i32
    %sign3A_74 = arith.extui %sign3A_73 : i1 to i32
    %sign3A_75 = arith.constant 0 : i32
    %sign3A_76 = arith.cmpi slt, %jit3A_62, %sign3A_75 : i32
    %sign3A_77 = arith.extui %sign3A_76 : i1 to i32
    %sign3A_78 = arith.subi %sign3A_74, %sign3A_77 : i32
    %ne3A = vector.broadcast %sign3A_78 : i32 to vector<512x1xi32>
    %ne3A_79 = arith.cmpi ne, %sign3A_71, %ne3A : vector<512x1xi32>
    %rem3A = vector.broadcast %jit3A_62 : i32 to vector<512x1xi32>
    %rem3A_80 = arith.remsi %iota3A_61, %rem3A : vector<512x1xi32>
    %ne3A_81 = arith.constant 0 : i32
    %ne3A_82 = vector.broadcast %ne3A_81 : i32 to vector<512x1xi32>
    %ne3A_83 = arith.cmpi ne, %rem3A_80, %ne3A_82 : vector<512x1xi32>
    %and3A = arith.andi %ne3A_79, %ne3A_83 : vector<512x1xi1>
    %sub3A = arith.constant 1 : i32
    %sub3A_84 = vector.broadcast %sub3A : i32 to vector<512x1xi32>
    %sub3A_85 = arith.subi %div3A_63, %sub3A_84 : vector<512x1xi32>
    %select_n3A_86 = arith.select %and3A, %sub3A_85, %div3A_63 : vector<512x1xi1>, vector<512x1xi32>
    %iota3A_87 = tpu.iota {dimensions = array<i32: 1>} : vector<1x64xi32>
    %eq3A_88 = vector.broadcast %select_n3A_86 : vector<512x1xi32> to vector<512x64xi32>
    %eq3A_89 = vector.broadcast %iota3A_87 : vector<1x64xi32> to vector<512x64xi32>
    %eq3A_90 = arith.cmpi eq, %eq3A_88, %eq3A_89 : vector<512x64xi32>
    %jit3A_91 = arith.constant 1.000000e+00 : f32
    %jit3A_92 = arith.constant 0.000000e+00 : f32
    %broadcast_in_dim3A_93 = vector.broadcast %jit3A_91 : f32 to vector<512x64xf32>
    %broadcast_in_dim3A_94 = vector.broadcast %jit3A_92 : f32 to vector<512x64xf32>
    %select_n3A_95 = arith.select %eq3A_90, %broadcast_in_dim3A_93, %broadcast_in_dim3A_94 : vector<512x64xi1>, vector<512x64xf32>
    %dot_general3A = arith.constant dense<0.000000e+00> : vector<32x64xf32>
    %dot_general3A_96 = tpu.matmul %select_n3A, %select_n3A_95, %dot_general3A {dimension_numbers = #tpu.dot_dimension_numbers<[1], [0], [0], [1], [0, 0, 1, 1], [], []>, transpose_lhs_hint = false} : vector<32x512xf32>, vector<512x64xf32>, vector<32x64xf32> -> vector<32x64xf32>
    %reshape3A = vector.shape_cast %dot_general3A_96 : vector<32x64xf32> to vector<1x32x64xf32>
    %swap3A_97 = arith.constant 0 : index
    %swap3A_98 = arith.constant 0 : index
    %swap3A_99 = arith.constant 0 : index
    %swap3A_100 = vector.load %arg7[%swap3A_97, %swap3A_98, %swap3A_99] : memref<1x32x64xf32, #tpu.memory_space<vmem>>, vector<1x32x64xf32>
    tpu.vector_store %arg7[%swap3A_97, %swap3A_98, %swap3A_99], %reshape3A {strides = array<i32>} : memref<1x32x64xf32, #tpu.memory_space<vmem>>, vector<1x32x64xf32>,
    return
  }
  func.func @transform_0(%arg0: i32) -> (i32, i32) {
    %c0_i32 = arith.constant 0 : i32
    %c0_i32_0 = arith.constant 0 : i32
    return %arg0, %c0_i32 : i32, i32
  }
  func.func @transform_1(%arg0: i32) -> (i32, i32) {
    %c0_i32 = arith.constant 0 : i32
    %c0_i32_0 = arith.constant 0 : i32
    %c0_i32_1 = arith.constant 0 : i32
    return %c0_i32, %c0_i32_0 : i32, i32
  }
  func.func @transform_2(%arg0: i32) -> (i32, i32) {
    %c0_i32 = arith.constant 0 : i32
    %c0_i32_0 = arith.constant 0 : i32
    return %arg0, %c0_i32 : i32, i32
  }
  func.func @transform_3(%arg0: i32) -> (i32, i32) {
    %c0_i32 = arith.constant 0 : i32
    %c0_i32_0 = arith.constant 0 : i32
    return %arg0, %c0_i32 : i32, i32
  }
  func.func @transform_4(%arg0: i32) -> (i32, i32) {
    %c0_i32 = arith.constant 0 : i32
    %c0_i32_0 = arith.constant 0 : i32
    return %arg0, %c0_i32 : i32, i32
  }
  func.func @transform_5(%arg0: i32) -> (i32, i32) {
    %c0_i32 = arith.constant 0 : i32
    %c0_i32_0 = arith.constant 0 : i32
    return %arg0, %c0_i32 : i32, i32
  }
  func.func @transform_6(%arg0: i32) -> (i32, i32, i32) {
    %c0_i32 = arith.constant 0 : i32
    %c0_i32_0 = arith.constant 0 : i32
    %c0_i32_1 = arith.constant 0 : i32
    return %arg0, %c0_i32, %c0_i32_0 : i32, i32, i32
  }
}

module attributes {stable_mosaic.version = 14 : i64} {
  func.func @_loss_body(%arg0: i32, %arg1: i32, %arg2: memref<512x32xf32, #tpu.memory_space<vmem>>, %arg3: memref<1024x32xf32, #tpu.memory_space<vmem>>, %arg4: memref<512x1xi32, #tpu.memory_space<vmem>>, %arg5: memref<1x1xf32, #tpu.memory_space<vmem>>, %arg6: memref<512x1xf32, #tpu.memory_space<vmem>>, %arg7: memref<512x1xf32, #tpu.memory_space<vmem>>, %arg8: memref<1x1xf32, #tpu.memory_space<vmem>>) attributes {dimension_semantics = [#tpu.dimension_semantics<arbitrary>, #tpu.dimension_semantics<arbitrary>], iteration_bounds = array<i64: 8, 8>, scalar_prefetch = 0 : i64, scratch_operands = 3 : i64, tpu.core_type = #tpu.core_type<tc>, window_params = [{transform_indices = @transform_0, window_bounds = array<i64: 512, 32>}, {transform_indices = @transform_1, window_bounds = array<i64: 1024, 32>}, {transform_indices = @transform_2, window_bounds = array<i64: 512, 1>}, {pipeline_mode = #tpu.pipeline_mode<synchronous>, transform_indices = @transform_3, window_bounds = array<i64: 1, 1>}]} {
    %get3A = arith.constant 0 : index
    %get3A_0 = arith.constant 0 : index
    %get3A_1 = vector.load %arg2[%get3A, %get3A_0] : memref<512x32xf32, #tpu.memory_space<vmem>>, vector<512x32xf32>
    %mul3A = arith.mulf %get3A_1, %get3A_1 : vector<512x32xf32>
    %reduce_sum3A = arith.constant dense<0.000000e+00> : vector<512xf32>
    %reduce_sum3A_2 = vector.multi_reduction <add>, %mul3A, %reduce_sum3A [1] : vector<512x32xf32> to vector<512xf32>
    %broadcast_in_dim3A = vector.shape_cast %reduce_sum3A_2 : vector<512xf32> to vector<512x1xf32>
    %max3A = arith.constant 1.000000e-24 : f32
    %max3A_3 = vector.broadcast %max3A : f32 to vector<512x1xf32>
    %max3A_4 = arith.maximumf %broadcast_in_dim3A, %max3A_3 : vector<512x1xf32>
    %rsqrt3A = math.rsqrt %max3A_4 : vector<512x1xf32>
    %mul3A_5 = vector.broadcast %rsqrt3A : vector<512x1xf32> to vector<512x32xf32>
    %mul3A_6 = arith.mulf %get3A_1, %mul3A_5 : vector<512x32xf32>
    %get3A_7 = arith.constant 0 : index
    %get3A_8 = arith.constant 0 : index
    %get3A_9 = vector.load %arg3[%get3A_7, %get3A_8] : memref<1024x32xf32, #tpu.memory_space<vmem>>, vector<1024x32xf32>
    %mul3A_10 = arith.mulf %get3A_9, %get3A_9 : vector<1024x32xf32>
    %reduce_sum3A_11 = arith.constant dense<0.000000e+00> : vector<1024xf32>
    %reduce_sum3A_12 = vector.multi_reduction <add>, %mul3A_10, %reduce_sum3A_11 [1] : vector<1024x32xf32> to vector<1024xf32>
    %broadcast_in_dim3A_13 = vector.shape_cast %reduce_sum3A_12 : vector<1024xf32> to vector<1024x1xf32>
    %max3A_14 = arith.constant 1.000000e-24 : f32
    %max3A_15 = vector.broadcast %max3A_14 : f32 to vector<1024x1xf32>
    %max3A_16 = arith.maximumf %broadcast_in_dim3A_13, %max3A_15 : vector<1024x1xf32>
    %rsqrt3A_17 = math.rsqrt %max3A_16 : vector<1024x1xf32>
    %mul3A_18 = vector.broadcast %rsqrt3A_17 : vector<1024x1xf32> to vector<1024x32xf32>
    %mul3A_19 = arith.mulf %get3A_9, %mul3A_18 : vector<1024x32xf32>
    %dot_general3A = arith.constant dense<0.000000e+00> : vector<512x1024xf32>
    %dot_general3A_20 = tpu.matmul %mul3A_6, %mul3A_19, %dot_general3A {dimension_numbers = #tpu.dot_dimension_numbers<[1], [1], [0], [0], [0, 0, 1, 0], [], []>, transpose_lhs_hint = false} : vector<512x32xf32>, vector<1024x32xf32>, vector<512x1024xf32> -> vector<512x1024xf32>
    %mul3A_21 = arith.constant 2.000000e+00 : f32
    %mul3A_22 = vector.broadcast %mul3A_21 : f32 to vector<512x1024xf32>
    %mul3A_23 = arith.mulf %dot_general3A_20, %mul3A_22 : vector<512x1024xf32>
    %get3A_24 = arith.constant 0 : index
    %get3A_25 = arith.constant 0 : index
    %get3A_26 = vector.load %arg4[%get3A_24, %get3A_25] : memref<512x1xi32, #tpu.memory_space<vmem>>, vector<512x1xi32>
    %mul3A_27 = arith.constant 1024 : i32
    %mul3A_28 = arith.muli %arg1, %mul3A_27 : i32
    %iota3A = tpu.iota {dimensions = array<i32: 1>} : vector<1x1024xi32>
    %add3A = vector.broadcast %mul3A_28 : i32 to vector<1x1024xi32>
    %add3A_29 = arith.addi %add3A, %iota3A : vector<1x1024xi32>
    %eq3A = vector.broadcast %get3A_26 : vector<512x1xi32> to vector<512x1024xi32>
    %eq3A_30 = vector.broadcast %add3A_29 : vector<1x1024xi32> to vector<512x1024xi32>
    %eq3A_31 = arith.cmpi eq, %eq3A, %eq3A_30 : vector<512x1024xi32>
    %eq3A_32 = arith.constant 0 : i32
    %eq3A_33 = arith.cmpi eq, %arg1, %eq3A_32 : i32
    %broadcast_in_dim3A_34 = arith.constant 0.000000e+00 : f32
    %broadcast_in_dim3A_35 = vector.broadcast %broadcast_in_dim3A_34 : f32 to vector<512x1xf32>
    %get3A_36 = arith.constant 0 : index
    %get3A_37 = arith.constant 0 : index
    %get3A_38 = vector.load %arg6[%get3A_36, %get3A_37] : memref<512x1xf32, #tpu.memory_space<vmem>>, vector<512x1xf32>
    %select_n3A = arith.select %eq3A_33, %broadcast_in_dim3A_35, %get3A_38 : vector<512x1xf32>
    %exp3A = math.exp %mul3A_23 : vector<512x1024xf32>
    %reduce_sum3A_39 = arith.constant dense<0.000000e+00> : vector<512xf32>
    %reduce_sum3A_40 = vector.multi_reduction <add>, %exp3A, %reduce_sum3A_39 [1] : vector<512x1024xf32> to vector<512xf32>
    %broadcast_in_dim3A_41 = vector.shape_cast %reduce_sum3A_40 : vector<512xf32> to vector<512x1xf32>
    %add3A_42 = arith.addf %select_n3A, %broadcast_in_dim3A_41 : vector<512x1xf32>
    %swap3A = arith.constant 0 : index
    %swap3A_43 = arith.constant 0 : index
    %swap3A_44 = vector.load %arg6[%swap3A, %swap3A_43] : memref<512x1xf32, #tpu.memory_space<vmem>>, vector<512x1xf32>
    tpu.vector_store %arg6[%swap3A, %swap3A_43], %add3A_42 {strides = array<i32>} : memref<512x1xf32, #tpu.memory_space<vmem>>, vector<512x1xf32>,
    %eq3A_45 = arith.constant 0 : i32
    %eq3A_46 = arith.cmpi eq, %arg1, %eq3A_45 : i32
    %broadcast_in_dim3A_47 = arith.constant 0.000000e+00 : f32
    %broadcast_in_dim3A_48 = vector.broadcast %broadcast_in_dim3A_47 : f32 to vector<512x1xf32>
    %get3A_49 = arith.constant 0 : index
    %get3A_50 = arith.constant 0 : index
    %get3A_51 = vector.load %arg7[%get3A_49, %get3A_50] : memref<512x1xf32, #tpu.memory_space<vmem>>, vector<512x1xf32>
    %select_n3A_52 = arith.select %eq3A_46, %broadcast_in_dim3A_48, %get3A_51 : vector<512x1xf32>
    %jit3A = arith.constant 0.000000e+00 : f32
    %broadcast_in_dim3A_53 = vector.broadcast %jit3A : f32 to vector<512x1024xf32>
    %select_n3A_54 = arith.select %eq3A_31, %mul3A_23, %broadcast_in_dim3A_53 : vector<512x1024xi1>, vector<512x1024xf32>
    %reduce_sum3A_55 = arith.constant dense<0.000000e+00> : vector<512xf32>
    %reduce_sum3A_56 = vector.multi_reduction <add>, %select_n3A_54, %reduce_sum3A_55 [1] : vector<512x1024xf32> to vector<512xf32>
    %broadcast_in_dim3A_57 = vector.shape_cast %reduce_sum3A_56 : vector<512xf32> to vector<512x1xf32>
    %add3A_58 = arith.addf %select_n3A_52, %broadcast_in_dim3A_57 : vector<512x1xf32>
    %swap3A_59 = arith.constant 0 : index
    %swap3A_60 = arith.constant 0 : index
    %swap3A_61 = vector.load %arg7[%swap3A_59, %swap3A_60] : memref<512x1xf32, #tpu.memory_space<vmem>>, vector<512x1xf32>
    tpu.vector_store %arg7[%swap3A_59, %swap3A_60], %add3A_58 {strides = array<i32>} : memref<512x1xf32, #tpu.memory_space<vmem>>, vector<512x1xf32>,
    %eq3A_62 = arith.constant 7 : i32
    %eq3A_63 = arith.cmpi eq, %arg1, %eq3A_62 : i32
    %convert_element_type3A = arith.extui %eq3A_63 : i1 to i32
    %cond3A = arith.constant 0 : i32
    %cond3A_64 = arith.cmpi ne, %convert_element_type3A, %cond3A : i32
    scf.if %cond3A_64 {
      %get3A_72 = arith.constant 0 : index
      %get3A_73 = arith.constant 0 : index
      %get3A_74 = vector.load %arg7[%get3A_72, %get3A_73] : memref<512x1xf32, #tpu.memory_space<vmem>>, vector<512x1xf32>
      %get3A_75 = arith.constant 0 : index
      %get3A_76 = arith.constant 0 : index
      %get3A_77 = vector.load %arg6[%get3A_75, %get3A_76] : memref<512x1xf32, #tpu.memory_space<vmem>>, vector<512x1xf32>
      %neg3A = arith.constant 0.000000e+00 : f32
      %neg3A_78 = vector.broadcast %neg3A : f32 to vector<512x1xf32>
      %neg3A_79 = arith.subf %neg3A_78, %get3A_74 : vector<512x1xf32>
      %exp3A_80 = math.exp %get3A_74 : vector<512x1xf32>
      %sub3A = arith.subf %get3A_77, %exp3A_80 : vector<512x1xf32>
      %log3A = math.log %sub3A : vector<512x1xf32>
      %add3A_81 = arith.addf %neg3A_79, %log3A : vector<512x1xf32>
      %eq3A_82 = arith.constant 0 : i32
      %eq3A_83 = arith.cmpi eq, %arg0, %eq3A_82 : i32
      %broadcast_in_dim3A_84 = arith.constant 0.000000e+00 : f32
      %broadcast_in_dim3A_85 = vector.broadcast %broadcast_in_dim3A_84 : f32 to vector<1x1xf32>
      %get3A_86 = arith.constant 0 : index
      %get3A_87 = arith.constant 0 : index
      %get3A_88 = vector.load %arg8[%get3A_86, %get3A_87] : memref<1x1xf32, #tpu.memory_space<vmem>>, vector<1x1xf32>
      %select_n3A_89 = arith.select %eq3A_83, %broadcast_in_dim3A_85, %get3A_88 : vector<1x1xf32>
      %reduce_sum3A_90 = vector.shape_cast %add3A_81 : vector<512x1xf32> to vector<1x512x1xf32>
      %reduce_sum3A_91 = arith.constant dense<0.000000e+00> : vector<1xf32>
      %reduce_sum3A_92 = vector.multi_reduction <add>, %reduce_sum3A_90, %reduce_sum3A_91 [1, 2] : vector<1x512x1xf32> to vector<1xf32>
      %reduce_sum3A_93 = vector.shape_cast %reduce_sum3A_92 : vector<1xf32> to vector<1x1x1xf32>
      %reduce_sum3A_94 = vector.extract %reduce_sum3A_93[0, 0, 0] : f32 from vector<1x1x1xf32>
      %broadcast_in_dim3A_95 = vector.broadcast %reduce_sum3A_94 : f32 to vector<1x1xf32>
      %add3A_96 = arith.addf %select_n3A_89, %broadcast_in_dim3A_95 : vector<1x1xf32>
      %swap3A_97 = arith.constant 0 : index
      %swap3A_98 = arith.constant 0 : index
      %swap3A_99 = vector.load %arg8[%swap3A_97, %swap3A_98] : memref<1x1xf32, #tpu.memory_space<vmem>>, vector<1x1xf32>
      tpu.vector_store %arg8[%swap3A_97, %swap3A_98], %add3A_96 {strides = array<i32>} : memref<1x1xf32, #tpu.memory_space<vmem>>, vector<1x1xf32>,
    } else {
    }
    %eq3A_65 = arith.constant 7 : i32
    %eq3A_66 = arith.cmpi eq, %arg1, %eq3A_65 : i32
    %eq3A_67 = arith.constant 7 : i32
    %eq3A_68 = arith.cmpi eq, %arg0, %eq3A_67 : i32
    %and3A = arith.andi %eq3A_66, %eq3A_68 : i1
    %convert_element_type3A_69 = arith.extui %and3A : i1 to i32
    %cond3A_70 = arith.constant 0 : i32
    %cond3A_71 = arith.cmpi ne, %convert_element_type3A_69, %cond3A_70 : i32
    scf.if %cond3A_71 {
      %get3A_72 = arith.constant 0 : index
      %get3A_73 = arith.constant 0 : index
      %get3A_74 = vector.load %arg8[%get3A_72, %get3A_73] : memref<1x1xf32, #tpu.memory_space<vmem>>, vector<1x1xf32>
      %mul3A_75 = arith.constant 2.44140625E-4 : f32
      %mul3A_76 = vector.broadcast %mul3A_75 : f32 to vector<1x1xf32>
      %mul3A_77 = arith.mulf %get3A_74, %mul3A_76 : vector<1x1xf32>
      %swap3A_78 = arith.constant 0 : index
      %swap3A_79 = arith.constant 0 : index
      %swap3A_80 = vector.load %arg5[%swap3A_78, %swap3A_79] : memref<1x1xf32, #tpu.memory_space<vmem>>, vector<1x1xf32>
      tpu.vector_store %arg5[%swap3A_78, %swap3A_79], %mul3A_77 {strides = array<i32>} : memref<1x1xf32, #tpu.memory_space<vmem>>, vector<1x1xf32>,
    } else {
    }
    return
  }
  func.func @transform_0(%arg0: i32, %arg1: i32) -> (i32, i32) {
    %c0_i32 = arith.constant 0 : i32
    %c0_i32_0 = arith.constant 0 : i32
    return %arg0, %c0_i32 : i32, i32
  }
  func.func @transform_1(%arg0: i32, %arg1: i32) -> (i32, i32) {
    %c0_i32 = arith.constant 0 : i32
    %c0_i32_0 = arith.constant 0 : i32
    return %arg1, %c0_i32 : i32, i32
  }
  func.func @transform_2(%arg0: i32, %arg1: i32) -> (i32, i32) {
    %c0_i32 = arith.constant 0 : i32
    %c0_i32_0 = arith.constant 0 : i32
    return %arg0, %c0_i32 : i32, i32
  }
  func.func @transform_3(%arg0: i32, %arg1: i32) -> (i32, i32) {
    %c0_i32 = arith.constant 0 : i32
    %c0_i32_0 = arith.constant 0 : i32
    %c0_i32_1 = arith.constant 0 : i32
    return %c0_i32, %c0_i32_0 : i32, i32
  }
}

</mosaic_0001>

<sc_bundles>
// kernel: kernel.5.cloned.1.call-start
scs
__scs_entry_jumppad:
0x0: {  	(pc) =	sbr.rel $0x88, $3  }
0x1: {  	(tag) =	ssettag $0x0;
	lr =	simm.s32 $0x1  }
0x2: {  	[smem:$0x3F9E] =	sst lr;
	_ =	strace $0xD0000000  }
0x3: {  	_ = 	snop  }
0x4: {  	_ = 	snop  }
0x5: {  	_ = 	snop  }
0x6: {  	_ = 	snop  }
0x7: {  	_ = 	snop  }
__scs_overlays_trampoline_lowered:
0x8: {  	[smem:$0x3FAD] =	sst s0  }
0x9: {  	[smem:$0x3FAE] =	sst s1  }
0xa: {  	[smem:$0x3FAF] =	sst s2  }
0xb: {  	[smem:$0x3FB0] =	sst s3  }
0xc: {  	[smem:$0x3FB1] =	sst s4  }
0xd: {  	[smem:$0x3FB2] =	sst s5  }
0xe: {  	[smem:$0x3FB3] =	sst s6  }
0xf: {  	[smem:$0x3FB4] =	sst s7  }
0x10: {  	[smem:$0x3FB5] =	sst s8  }
0x11: {  	[smem:$0x3FB6] =	sst s9;
	s0 =	simm.s32 @!p0 $0x0  }
0x12: {  	s1 =	sld [smem:$0x3F9C];
	s0 =	simm.s32 @p0 $0x1  }
0x13: {  	[smem:$0x3FB7] =	sst s0;
	s0 =	simm.s32 @!p1 $0x0  }
0x14: {  	s2 =	sld [smem:$0x3F9B];
	s0 =	simm.s32 @p1 $0x1  }
0x15: {  	[smem:$0x3FB8] =	sst s0;
	s0 =	simm.s32 @!p2 $0x0  }
0x16: {  	s3 =	sld [smem:$0x3FDB];
	s0 =	simm.s32 @p2 $0x1  }
0x17: {  	s4 =	simm.s32 $0x1BF5;
	[smem:$0x3FBA] =	sst s0  }
0x18: {  	s0 =	sld [smem:$0x3F9D];
	_ =	swait.ge [sflag:s4], $0x0  }
0x19: {  	s7 =	sld [smem:$0x3F9E]  }
0x1a: {  	s8 =	sadd.s32 $0xFFFFE003, lr  }
0x1b: {  	s9 =	sadd.s32 $0xFFFFFEF7, lr;
	s5 =	simm.s32 $0xFFFFFFFF;
	p2 =	slt.u32 s8, $0xFFFFF086  }
0x1c: {  	p1 =	slt.u32 s9, $0xF7A;
	s5 =	simm.s32 @!p2 $0x0  }
0x1d: {  	s5 =	simm.s32 @p1 $0x1;
	p0 =	seq.s32 s7, s2  }
0x1e: {  	s7 =	smul.u32 @!p0 $0xF7A, s2;
	p2 =	seq.s32 @!p0 s5, $0x0  }
0x1f: {  	s9 =	smul.u32 $0xF7A, s1;
	s8 =	simm.s32 @!p0 $0x1BF5;
	p2 =	por !p2, p0  }
0x20: {  	[sflag:s8] =	ssyncset.s32 @!p0 $0xFFFFF086;
	s6 =	sadd.s32 @!p0 s3, s7;
	s7 =	simm.s32 @!p0 $0x108  }
0x21: {  	s3 =	sadd.s32 s3, s9;
	s6 =	sadd.s32 @!p0 $0x88, s6;
	s7 =	simm.s32 @p2 $0x1082  }
0x22: {  	[simem:s7], [sflag:s8] =	dma.local @!p0 [hbm:s6], $0xF7A  }
0x23: {  	s9 =	sor.u32 $0xD0000000, s2;
	s6 =	simm.s32 $0x108;
	_ =	swait.ge @!p0 [sflag:s8], $0x0  }
0x24: {  	s3 =	sadd.s32 $0x88, s3;
	s6 =	simm.s32 @!p1 $0x1082;
	[sflag:s4] =	ssyncset.s32 $0xFFFFF086  }
0x25: {  	[simem:s6], [sflag:s4] =	dma.local [hbm:s3], $0xF7A  }
0x26: {  	[smem:$0x3F9E] =	sst s1;
	(tag) =	ssettag s2;
	_ =	strace s9  }
0x27: {  	s1 =	sld [smem:$0x3FAE]  }
0x28: {  	s2 =	sld [smem:$0x3FAF]  }
0x29: {  	s4 =	sld [smem:$0x3FB1]  }
0x2a: {  	p0 =	seq.s32 s5, $0x0;
	s5 =	sld [smem:$0x3FB2]  }
0x2b: {  	s6 =	sld [smem:$0x3FB3]  }
0x2c: {  	s7 =	sld [smem:$0x3FB4]  }
0x2d: {  	s3 =	simm.s32 $0x108;
	s8 =	sld [smem:$0x3FB5]  }
0x2e: {  	s3 =	simm.s32 @!p0 $0x1082;
	s9 =	sld [smem:$0x3FB6]  }
0x2f: {  	lr =	sadd.s32 s0, s3;
	s0 =	sld [smem:$0x3FAD]  }
0x30: {  	s3 =	sld [smem:$0x3FB0]  }
0x31: {  	[smem:$0x3FB9] =	sst s10  }
0x32: {  	s10 =	sld [smem:$0x3FB7];
	_ =	sdelay $0x3  }
0x33: {  	p0 =	seq.s32 s10, $0x1;
	s10 =	sld [smem:$0x3FB9];
	_ =	sdelay $0x3  }
0x34: {  	[smem:$0x3FB9] =	sst s10  }
0x35: {  	s10 =	sld [smem:$0x3FB8];
	_ =	sdelay $0x3  }
0x36: {  	p1 =	seq.s32 s10, $0x1;
	s10 =	sld [smem:$0x3FB9];
	_ =	sdelay $0x3  }
0x37: {  	[smem:$0x3FB9] =	sst s10  }
0x38: {  	s10 =	sld [smem:$0x3FBA]  }
0x39: {  	_ = 	snop;
	(pc) =	sbr.ind lr, $3  }
0x3a: {  	_ = 	snop  }
0x3b: {  	_ = 	snop  }
0x3c: {  	p2 =	seq.s32 s10, $0x1;
	s10 =	sld [smem:$0x3FB9]  }
0x3d: {  	_ =	shalt  }
0x3e: {  	_ =	shalt  }
0x3f: {  	_ =	shalt  }
0x40: {  	_ =	shalt  }
0x41: {  	_ =	shalt  }
0x42: {  	_ =	shalt  }
0x43: {  	_ =	shalt  }
0x44: {  	_ =	shalt  }
0x45: {  	_ =	shalt  }
0x46: {  	_ =	shalt  }
0x47: {  	_ =	shalt  }
0x48: {  	_ =	shalt  }
0x49: {  	_ =	shalt  }
0x4a: {  	_ =	shalt  }
0x4b: {  	_ =	shalt  }
0x4c: {  	_ =	shalt  }
0x4d: {  	_ =	shalt  }
0x4e: {  	_ =	shalt  }
0x4f: {  	_ =	shalt  }
0x50: {  	_ =	shalt  }
0x51: {  	_ =	shalt  }
0x52: {  	_ =	shalt  }
0x53: {  	_ =	shalt  }
0x54: {  	_ =	shalt  }
0x55: {  	_ =	shalt  }
0x56: {  	_ =	shalt  }
0x57: {  	_ =	shalt  }
0x58: {  	_ =	shalt  }
0x59: {  	_ =	shalt  }
0x5a: {  	_ =	shalt  }
0x5b: {  	_ =	shalt  }
0x5c: {  	_ =	shalt  }
0x5d: {  	_ =	shalt  }
0x5e: {  	_ =	shalt  }
0x5f: {  	_ =	shalt  }
0x60: {  	_ =	shalt  }
0x61: {  	_ =	shalt  }
0x62: {  	_ =	shalt  }
0x63: {  	_ =	shalt  }
0x64: {  	_ =	shalt  }
0x65: {  	_ =	shalt  }
0x66: {  	_ =	shalt  }
0x67: {  	_ =	shalt  }
0x68: {  	_ =	shalt  }
0x69: {  	_ =	shalt  }
0x6a: {  	_ =	shalt  }
0x6b: {  	_ =	shalt  }
0x6c: {  	_ =	shalt  }
0x6d: {  	_ =	shalt  }
0x6e: {  	_ =	shalt  }
0x6f: {  	_ =	shalt  }
0x70: {  	_ =	shalt  }
0x71: {  	_ =	shalt  }
0x72: {  	_ =	shalt  }
0x73: {  	_ =	shalt  }
0x74: {  	_ =	shalt  }
0x75: {  	_ =	shalt  }
0x76: {  	_ =	shalt  }
0x77: {  	_ =	shalt  }
0x78: {  	_ =	shalt  }
0x79: {  	_ =	shalt  }
0x7a: {  	_ =	shalt  }
0x7b: {  	_ =	shalt  }
0x7c: {  	_ =	shalt  }
0x7d: {  	_ =	shalt  }
0x7e: {  	_ =	shalt  }
0x7f: {  	_ =	shalt  }
0x80: {  	_ =	shalt  }
0x81: {  	_ =	shalt  }
0x82: {  	_ =	shalt  }
0x83: {  	_ =	shalt  }
0x84: {  	_ =	shalt  }
0x85: {  	_ =	shalt  }
0x86: {  	_ =	shalt  }
0x87: {  	_ =	shalt  }
.Lfunc_end0:
.L_simem_size_0:
called_computation_lowered:
.L_overlay_start_0:
0x88: {  	s2 =	sld [smem:$0x3FD9]  }
0x89: {  	s3 =	sld [smem:$0x3FFE];
	_ =	sdelay $0x1  }
0x8a: {  	s1 =	srdreg.scid  }
0x8b: {  	s0 =	sand.u32 $0x1, s1  }
0x8c: {  	s14 =	sshll.u32 s0, $0xA;
	s2 =	sadd.s32 s3, s2  }
0x8d: {  	s2 =	sadd.s32 s2, s14  }
0x8e: {  	[smem:$0x3FC5] =	sst s2  }
0x8f: {  	_ = 	snop  }
0x90: {  	s2 =	sld [smem:$0x3FD0];
	_ =	sdelay $0x2  }
0x91: {  	s4 =	simm.s32 $0xA;
	s5 =	simm.s32 $0x10;
	s15 =	sld [smem:$0x3FC8]  }
0x92: {  	[smem:s5], [sflag:s4] =	dma.local [hbm:s2], $0x1  }
0x93: {  	_ =	swait.eq [sflag:s4], $0x1  }
0x94: {  	[sflag:s4] =	ssyncset.done $0x0  }
0x95: {  	[sflag:s4] =	ssyncadd.s32 $0xFFFFFFFF  }
0x96: {  	s16 =	sld [smem:$0x11];
	(tm) =	ssettm $0x1  }
0x97: {  	s17 =	sld [smem:$0x3FFB];
	_ =	sdelay $0x3  }
0x98: {  	_ =	strace s17  }
0x99: {  	s4 =	sld [smem:$0x3FFC];
	_ =	sdelay $0x3  }
0x9a: {  	_ =	strace s4  }
0x9b: {  	s4 =	sld [smem:$0x3FFD];
	_ =	sdelay $0x3  }
0x9c: {  	_ =	strace s4  }
0x9d: {  	_ =	strace $0x8FFFFFFF  }
0x9e: {  	s18 =	sld [smem:$0x3FDB];
	_ =	sdelay $0x1  }
0x9f: {  	s19 =	simm.s32 $_scs_section_size  }
0xa0: {  	s6 =	simm.s32 $_size__tile_overlayer_lowered;
	s7 =	simm.s32 $_tile_overlayer_lowered  }
0xa1: {  	s22 =	simm.s32 $0x1BFF;
	s21 =	sshll.u32 s7, $0x1;
	s4 =	sadd.s32 s19, s18  }
0xa2: {  	s8 =	simm.s32 $0x0;
	s20 =	sshll.u32 s6, $0x1;
	s6 =	sadd.s32 s21, s4  }
0xa3: {  	[timem:s8], [sflag:s22] =	dma.local [hbm:s6], s20  }
0xa4: {  	_ =	swait.ge [sflag:s22], s20  }
0xa5: {  	s5 =	ssub.s32 $0x0, s20;
	[sflag:s22] =	ssyncset.done $0x0  }
0xa6: {  	[sflag:s22] =	ssyncadd.s32 s5;
	_ =	sdelay $0x1  }
0xa7: {  	s23 =	simm.s32 $0x1B8B  }
0xa8: {  	_ =	swait.ge [sflag:s23], $0x1  }
0xa9: {  	[sflag:s23] =	ssyncset.done $0x0  }
0xaa: {  	s25 =	simm.s32 $0x1B8E;
	s24 =	sld [smem:$0x3FFE];
	[sflag:s23] =	ssyncadd.s32 $0xFFFFFFFF  }
0xab: {  	s26 =	simm.s32 $execute0_lowered;
	[smem:$0x3FD2] =	sst s25  }
0xac: {  	s6 =	sshll.u32 s26, $0x1;
	_ =	strace $0x80000046;
	[dreg:$0x1] =	wrdreg $0xFFFFFFFF  }
0xad: {  	s28 =	simm.s32 $_size_execute0_lowered;
	s4 =	sadd.s32 s4, s6;
	[dreg:$0x0] =	wrdreg $0x0  }
0xae: {  	s6 =	sshll.u32 s28, $0x1;
	[dreg:$0x2] =	wrdreg s4  }
0xaf: {  	[dreg:$0x3] =	wrdreg s6  }
0xb0: {  	[dreg:$0x4] =	wrdreg $0xC0  }
0xb1: {  	_ =	task [dreg:s8], $0x5FFFF  }
0xb2: {  	[dreg:$0x1] =	wrdreg $0xFFFFFFFF  }
0xb3: {  	[dreg:$0x0] =	wrdreg $0x60  }
0xb4: {  	[dreg:$0x2] =	wrdreg s24  }
0xb5: {  	[dreg:$0x3] =	wrdreg s15  }
0xb6: {  	[dreg:$0x4] =	wrdreg s16  }
0xb7: {  	[dreg:$0x5] =	wrdreg $0x9  }
0xb8: {  	_ =	task.clear_ibuf [dreg:s8], $0x6FFFF;
	_ =	strace $0x90000046  }
0xb9: {  	s29 =	simm.s32 $0x9;
	_ =	strace $0x80000048  }
0xba: {  	_ =	swait.ge [sflag:s29], $0x1  }
0xbb: {  	[sflag:s29] =	ssyncadd.s32 $0xFFFFFFFF  }
0xbc: {  	_ =	strace $0x90000048  }
0xbd: {  	_ =	sfence  }
0xbe: {  	s30 =	sld [smem:$0x0];
	_ =	sdelay $0x2  }
0xbf: {  	s31 =	sshll.u32 s1, $0xD;
	s1 =	sshrl.u32 s1, $0x2  }
0xc0: {  	s3 =	sand.u32 $0x4000, s31;
	s1 =	sadd.s32 s1, s30  }
0xc1: {  	s0 =	sor.u32 s3, s0;
	s1 =	sshll.u32 s1, $0x11  }
0xc2: {  	s0 =	sor.u32 s1, s0  }
0xc3: {  	s0 =	sadd.s32 $0x8F2B, s0  }
0xc4: {  	[sflag:s0] =	ssyncadd.remote.s32 $0x1  }
0xc5: {  	_ =	sfence.sel $0xFFFF  }
0xc6: {  	[dreg:$0x0] =	wrdreg $0xFFFFFFFF;
	(pc) =	sbr.abs _section_cstart, $3  }
0xc7: {  	[dreg:$0x1] =	wrdreg $0xFFFFFFFF  }
0xc8: {  	_ =	task.clear_ibuf [dreg:s8], $0x2FFFF;
	_ =	strace $0x9FFFFFFF  }
0xc9: {  	(tm) =	ssettm $0x7FFFFFFF  }
tec
execute0_lowered:
.L_overlay_start_1:
0x0: {  	(tag) =	ssettag $0x1  }
0x1: {  	s5 =	rddreg [dreg:$0x0]  }
0x2: {  	s1 =	rddreg [dreg:$0x1]  }
0x3: {  	s7 =	rddreg [dreg:$0x2]  }
0x4: {  	s2 =	srdreg.scid;
	s0 =	rddreg [dreg:$0x3]  }
0x5: {  	s3 =	simm.s32 $0x0;
	s12 =	simm.s32 $0x80;
	s13 =	simm.s32 $0x400  }
0x6: {  	s14 =	simm.s32 $0x9080;
	s15 =	simm.s32 $0x0;
	s4 =	sand.u32 $0x1, s2  }
0x7: {  	[smem:$0x7FF] =	sst s3;
	s2 =	stileid.u32;
	s6 =	sshll.u32 s4, $0x4  }
0x8: {  	_ =	strace $0x80000047;
	s8 =	ssub.s32 $0x2, s4;
	s4 =	sadd.s32 $0x20E00, s5  }
0x9: {  	s31 =	sshll.u32 s2, $0x4;
	s6 =	sor.u32 s2, s6;
	s10 =	sshrl.u32 s8, $0x1  }
.Ltmp0:
0xa: {  	s9 =	sshll.u32 s6, $0xC;
	s10 =	ssub.s32 s8, s10;
	(pc) =	sbr.rel .LBB2_1-.Ltmp0, $4  }
0xb: {  	s11 =	sshll.u32 s6, $0x6;
	s8 =	sand.u32 $0x70, s31;
	s9 =	sadd.s32 s9, s5  }
0xc: {  	s5 =	sshll.u32 s6, $0x8;
	s11 =	sand.u32 $0x600, s11;
	s7 =	sadd.s32 s7, s8  }
0xd: {  	s6 =	sadd.s32 $0xE00, s9;
	s7 =	sadd.s32 s11, s7;
	s8 =	sadd.s32 $0x30E00, s9  }
0xe: {  	s9 =	smax.u32 s10, $0x1;
	s10 =	simm.s32 $0x1;
	s11 =	simm.s32 $0x8000  }
.LBB2_7:
0xf: {  	s15 =	sadd.s32 $0x1, s15  }
0x10: {  	p0 =	sne.s32 s15, s9  }
.Ltmp1:
0x11: {  	_ = 	snop;
	(pc) =	sbr.rel @!p0 .LBB2_8-.Ltmp1, $4  }
0x12: {  	[hbm4b:s8+s3] =	stream.linear.scatter [tilespmem:s3], [sflag:$0x1], $0x8000, $0x38;
	[tilespmem:$0x11300] =	vst v63  }
0x13: {  	_ =	swait.ge [sflag:s10], $0x8000  }
0x14: {  	[sflag:s10] =	ssyncset.done $0x0  }
0x15: {  	[sflag:s10] =	ssyncadd.s32 $0xFFFF8000  }
.LBB2_1:
0x16: {  	[tilespmem:s3], [sflag:$0x1] =	stream.linear.gather [hbm4b:s6+s3], $0x8000, $0x38;
	[tilespmem:$0x11300] =	vst v63  }
0x17: {  	_ =	swait.ge [sflag:s10], $0x8000  }
0x18: {  	[sflag:s10] =	ssyncset.done $0x0  }
0x19: {  	[sflag:s10] =	ssyncadd.s32 $0xFFFF8000  }
0x1a: {  	[tilespmem:s11], [sflag:$0x1] =	stream.linear.gather [hbm4b:s1+s3], $0x1000, $0x38;
	[tilespmem:$0x11300] =	vst v63  }
0x1b: {  	_ =	swait.ge [sflag:s10], $0x1000  }
0x1c: {  	[sflag:s10] =	ssyncset.done $0x0  }
.Ltmp2:
0x1d: {  	s16 =	simm.s32 $0x11080;
	[sflag:s10] =	ssyncadd.s32 $0xFFFFF000;
	(pc) =	sbr.rel .LBB2_2-.Ltmp2, $4  }
0x1e: {  	[tilespmem:s16], [sflag:$0x1] =	stream.strided.gather [hbm4b:s7+s12], $0x200, s13, s12, $0x38;
	[tilespmem:$0x11300] =	vst v63  }
0x1f: {  	_ =	swait.ge [sflag:s10], $0x200  }
0x20: {  	[sflag:s10] =	ssyncset.done $0x0  }
0x21: {  	s17 =	simm.s32 $0x8007;
	s18 =	simm.s32 $0x0;
	[sflag:s10] =	ssyncadd.s32 $0xFFFFFE00  }
.LBB2_6:
0x22: {  	s18 =	sadd.s32 $0x1, s18  }
0x23: {  	p0 =	sne.s32 s18, $0x10  }
.Ltmp3:
0x24: {  	_ = 	snop;
	(pc) =	sbr.rel @!p0 .LBB2_7-.Ltmp3, $2  }
0x25: {  	_ =	sdelay $0x2  }
0x26: {  	s16 =	sadd.s32 $0x20, s16;
	s17 =	sadd.s32 $0x100, s17  }
.LBB2_2:
0x27: {  	s19 =	sshll.u32 s18, $0xC  }
.Ltmp4:
0x28: {  	s20 =	sadd.s32 s4, s19;
	s19 =	simm.s32 $0x0;
	(pc) =	sbr.rel .LBB2_3-.Ltmp4, $4  }
0x29: {  	[tilespmem:s14], [sflag:$0x1] =	stream.linear.gather [hbm4b:s20+s19], $0x8000, $0x38;
	[tilespmem:$0x11300] =	vst v63  }
0x2a: {  	s31 =	sshll.u32 s18, $0x8;
	s21 =	simm.s32 $0x9280;
	_ =	swait.ge [sflag:s10], $0x8000  }
0x2b: {  	s22 =	smov.u32 s17;
	s20 =	sand.u32 $0x3FFFFF00, s31;
	[sflag:s10] =	ssyncset.done $0x0  }
0x2c: {  	s23 =	smov.u32 s16;
	s20 =	sadd.s32 $0x8000, s20;
	[sflag:s10] =	ssyncadd.s32 $0xFFFF8000  }
.LBB2_5:
0x2d: {  	s19 =	sadd.s32 $0x8, s19  }
0x2e: {  	p0 =	sne.s32 s19, $0x100  }
.Ltmp5:
0x2f: {  	_ = 	snop;
	(pc) =	sbr.rel @!p0 .LBB2_6-.Ltmp5, $2  }
0x30: {  	_ =	sdelay $0x2  }
0x31: {  	s23 =	sadd.s32 $0x1, s23;
	s22 =	sadd.s32 $0x8, s22;
	s21 =	sadd.s32 $0x400, s21  }
.LBB2_3:
0x32: {  	v0 =	vld [tilespmem:s23+$0x0];
	_ =	sdelay $0x4  }
0x33: {  	(v2sf) =	vpush v0, $0x0;
	_ =	sdelay $0xe  }
0x34: {  	s24 =	spop (v2sf)  }
0x35: {  	p0 =	sgt.f32 s24, $0.0e+00  }
.Ltmp6:
0x36: {  	_ = 	snop;
	(pc) =	sbr.rel @!p0 .LBB2_5-.Ltmp6, $1  }
0x37: {  	_ =	sdelay $0x3  }
0x38: {  	s24 =	sand.u32 $0x80, s19  }
0x39: {  	s25 =	sand.u32 $0x78, s19;
	s24 =	sadd.s32 s24, s20  }
0x3a: {  	s25 =	sadd.s32 s25, s24  }
0x3b: {  	v0 =	vld [tilespmem:s25+$0x0];
	_ =	sdelay $0x4  }
0x3c: {  	(v2sf) =	vpush v0, $0x0;
	_ =	sdelay $0xe  }
0x3d: {  	s28 =	spop (v2sf)  }
0x3e: {  	s25 =	ssub.s32 s28, s5  }
0x3f: {  	p0 =	sgt.u32 s25, $0xFF  }
0x40: {  	s25 =	sshll.u32 @!p0 s25, $0x7  }
0x41: {  	v1 =	vld @!p0 [tilespmem:s21+$0xFFFFFE00];
	s25 =	sand.u32 @!p0 $0x3FFFFF80, s25  }
0x42: {  	v0 =	vld @!p0 [tilespmem:s25+$0x0];
	_ =	sdelay $0x4  }
0x43: {  	v0 =	vadd.f32 @!p0 v1, v0;
	_ =	sdelay $0x1  }
0x44: {  	[tilespmem:s25+$0x0] =	vst @!p0 v0;
	v0 =	vld @!p0 [tilespmem:s25+$0x10]  }
0x45: {  	v1 =	vld @!p0 [tilespmem:s21+$0xFFFFFE10];
	_ =	sdelay $0x4  }
0x46: {  	s26 =	sadd.s32 $0x1, s19;
	v0 =	vadd.f32 @!p0 v1, v0  }
0x47: {  	s26 =	sand.u32 $0x79, s26  }
0x48: {  	s29 =	sadd.s32 s26, s24;
	[tilespmem:s25+$0x10] =	vst @!p0 v0  }
0x49: {  	v0 =	vld [tilespmem:s29+$0x0];
	_ =	sdelay $0x4  }
0x4a: {  	(v2sf) =	vpush v0, $0x0;
	_ =	sdelay $0xe  }
0x4b: {  	s30 =	spop (v2sf)  }
0x4c: {  	s25 =	ssub.s32 s30, s5  }
0x4d: {  	p0 =	sgt.u32 s25, $0xFF  }
0x4e: {  	s25 =	sshll.u32 @!p0 s25, $0x7  }
0x4f: {  	v1 =	vld @!p0 [tilespmem:s21+$0xFFFFFE80];
	s25 =	sand.u32 @!p0 $0x3FFFFF80, s25  }
0x50: {  	v0 =	vld @!p0 [tilespmem:s25+$0x0];
	_ =	sdelay $0x4  }
0x51: {  	v0 =	vadd.f32 @!p0 v1, v0;
	_ =	sdelay $0x1  }
0x52: {  	[tilespmem:s25+$0x0] =	vst @!p0 v0;
	v0 =	vld @!p0 [tilespmem:s25+$0x10]  }
0x53: {  	v1 =	vld @!p0 [tilespmem:s21+$0xFFFFFE90];
	_ =	sdelay $0x4  }
0x54: {  	s31 =	sadd.s32 $0x2, s19;
	v0 =	vadd.f32 @!p0 v1, v0  }
0x55: {  	s26 =	sand.u32 $0x7A, s31  }
0x56: {  	s28 =	sadd.s32 s26, s24;
	[tilespmem:s25+$0x10] =	vst @!p0 v0  }
0x57: {  	v0 =	vld [tilespmem:s28+$0x0];
	_ =	sdelay $0x4  }
0x58: {  	(v2sf) =	vpush v0, $0x0;
	_ =	sdelay $0xe  }
0x59: {  	s29 =	spop (v2sf)  }
0x5a: {  	s25 =	ssub.s32 s29, s5  }
0x5b: {  	p0 =	sgt.u32 s25, $0xFF  }
0x5c: {  	s25 =	sshll.u32 @!p0 s25, $0x7  }
0x5d: {  	v1 =	vld @!p0 [tilespmem:s21+$0xFFFFFF00];
	s25 =	sand.u32 @!p0 $0x3FFFFF80, s25  }
0x5e: {  	v0 =	vld @!p0 [tilespmem:s25+$0x0];
	_ =	sdelay $0x4  }
0x5f: {  	v0 =	vadd.f32 @!p0 v1, v0;
	_ =	sdelay $0x1  }
0x60: {  	[tilespmem:s25+$0x0] =	vst @!p0 v0;
	v0 =	vld @!p0 [tilespmem:s25+$0x10]  }
0x61: {  	v1 =	vld @!p0 [tilespmem:s21+$0xFFFFFF10];
	_ =	sdelay $0x4  }
0x62: {  	s30 =	sadd.s32 $0x3, s19;
	v0 =	vadd.f32 @!p0 v1, v0  }
0x63: {  	s26 =	sand.u32 $0x7B, s30  }
0x64: {  	s31 =	sadd.s32 s26, s24;
	[tilespmem:s25+$0x10] =	vst @!p0 v0  }
0x65: {  	v0 =	vld [tilespmem:s31+$0x0];
	_ =	sdelay $0x4  }
0x66: {  	(v2sf) =	vpush v0, $0x0;
	_ =	sdelay $0xe  }
0x67: {  	s26 =	spop (v2sf)  }
0x68: {  	s25 =	ssub.s32 s26, s5  }
0x69: {  	p0 =	sgt.u32 s25, $0xFF  }
0x6a: {  	s25 =	sshll.u32 @!p0 s25, $0x7  }
0x6b: {  	v1 =	vld @!p0 [tilespmem:s21+$0xFFFFFF80];
	s25 =	sand.u32 @!p0 $0x3FFFFF80, s25  }
0x6c: {  	v0 =	vld @!p0 [tilespmem:s25+$0x0];
	_ =	sdelay $0x4  }
0x6d: {  	v0 =	vadd.f32 @!p0 v1, v0;
	_ =	sdelay $0x1  }
0x6e: {  	[tilespmem:s25+$0x0] =	vst @!p0 v0;
	v0 =	vld @!p0 [tilespmem:s25+$0x10]  }
0x6f: {  	v1 =	vld @!p0 [tilespmem:s21+$0xFFFFFF90];
	_ =	sdelay $0x4  }
0x70: {  	s28 =	sadd.s32 $0x4, s19;
	v0 =	vadd.f32 @!p0 v1, v0  }
0x71: {  	s26 =	sand.u32 $0x7C, s28  }
0x72: {  	s29 =	sadd.s32 s26, s24;
	[tilespmem:s25+$0x10] =	vst @!p0 v0  }
0x73: {  	v0 =	vld [tilespmem:s29+$0x0];
	_ =	sdelay $0x4  }
0x74: {  	(v2sf) =	vpush v0, $0x0;
	_ =	sdelay $0xe  }
0x75: {  	s30 =	spop (v2sf)  }
0x76: {  	s25 =	ssub.s32 s30, s5  }
0x77: {  	p0 =	sgt.u32 s25, $0xFF  }
0x78: {  	s25 =	sshll.u32 @!p0 s25, $0x7  }
0x79: {  	v1 =	vld @!p0 [tilespmem:s21+$0x0];
	s25 =	sand.u32 @!p0 $0x3FFFFF80, s25  }
0x7a: {  	v0 =	vld @!p0 [tilespmem:s25+$0x0];
	_ =	sdelay $0x4  }
0x7b: {  	v0 =	vadd.f32 @!p0 v1, v0;
	_ =	sdelay $0x1  }
0x7c: {  	[tilespmem:s25+$0x0] =	vst @!p0 v0;
	v0 =	vld @!p0 [tilespmem:s25+$0x10]  }
0x7d: {  	v1 =	vld @!p0 [tilespmem:s21+$0x10];
	_ =	sdelay $0x4  }
0x7e: {  	s31 =	sadd.s32 $0x5, s19;
	v0 =	vadd.f32 @!p0 v1, v0  }
0x7f: {  	s26 =	sand.u32 $0x7D, s31  }
0x80: {  	s26 =	sadd.s32 s26, s24;
	[tilespmem:s25+$0x10] =	vst @!p0 v0  }
0x81: {  	v0 =	vld [tilespmem:s26+$0x0];
	_ =	sdelay $0x4  }
0x82: {  	(v2sf) =	vpush v0, $0x0;
	_ =	sdelay $0xe  }
0x83: {  	s28 =	spop (v2sf)  }
0x84: {  	s25 =	ssub.s32 s28, s5  }
0x85: {  	p0 =	sgt.u32 s25, $0xFF  }
0x86: {  	s25 =	sshll.u32 @!p0 s25, $0x7  }
0x87: {  	v1 =	vld @!p0 [tilespmem:s21+$0x80];
	s25 =	sand.u32 @!p0 $0x3FFFFF80, s25  }
0x88: {  	v0 =	vld @!p0 [tilespmem:s25+$0x0];
	_ =	sdelay $0x4  }
0x89: {  	v0 =	vadd.f32 @!p0 v1, v0;
	_ =	sdelay $0x1  }
0x8a: {  	[tilespmem:s25+$0x0] =	vst @!p0 v0;
	v0 =	vld @!p0 [tilespmem:s25+$0x10]  }
0x8b: {  	v1 =	vld @!p0 [tilespmem:s21+$0x90];
	_ =	sdelay $0x4  }
0x8c: {  	s29 =	sadd.s32 $0x6, s19;
	v0 =	vadd.f32 @!p0 v1, v0  }
0x8d: {  	s26 =	sand.u32 $0x7E, s29  }
0x8e: {  	s24 =	sadd.s32 s26, s24;
	[tilespmem:s25+$0x10] =	vst @!p0 v0  }
0x8f: {  	v0 =	vld [tilespmem:s24+$0x0];
	_ =	sdelay $0x4  }
0x90: {  	(v2sf) =	vpush v0, $0x0;
	_ =	sdelay $0xe  }
0x91: {  	s30 =	spop (v2sf)  }
0x92: {  	s24 =	ssub.s32 s30, s5  }
0x93: {  	p0 =	sgt.u32 s24, $0xFF  }
0x94: {  	s24 =	sshll.u32 @!p0 s24, $0x7  }
0x95: {  	v1 =	vld @!p0 [tilespmem:s21+$0x100];
	s24 =	sand.u32 @!p0 $0x3FFFFF80, s24  }
0x96: {  	v0 =	vld @!p0 [tilespmem:s24+$0x0];
	_ =	sdelay $0x4  }
0x97: {  	v0 =	vadd.f32 @!p0 v1, v0;
	_ =	sdelay $0x1  }
0x98: {  	[tilespmem:s24+$0x0] =	vst @!p0 v0;
	v0 =	vld @!p0 [tilespmem:s24+$0x10]  }
0x99: {  	v1 =	vld @!p0 [tilespmem:s21+$0x110];
	_ =	sdelay $0x4  }
0x9a: {  	v0 =	vadd.f32 @!p0 v1, v0;
	_ =	sdelay $0x1  }
0x9b: {  	[tilespmem:s24+$0x10] =	vst @!p0 v0  }
0x9c: {  	v0 =	vld [tilespmem:s22+$0x0];
	_ =	sdelay $0x4  }
0x9d: {  	(v2sf) =	vpush v0, $0x0;
	_ =	sdelay $0xe  }
0x9e: {  	s31 =	spop (v2sf)  }
0x9f: {  	s24 =	ssub.s32 s31, s5  }
0xa0: {  	p0 =	sgt.u32 s24, $0xFF  }
0xa1: {  	s24 =	sshll.u32 @!p0 s24, $0x7  }
0xa2: {  	v1 =	vld @!p0 [tilespmem:s21+$0x180];
	s24 =	sand.u32 @!p0 $0x3FFFFF80, s24  }
0xa3: {  	v0 =	vld @!p0 [tilespmem:s24+$0x0];
	_ =	sdelay $0x4  }
0xa4: {  	v0 =	vadd.f32 @!p0 v1, v0;
	_ =	sdelay $0x1  }
0xa5: {  	[tilespmem:s24+$0x0] =	vst @!p0 v0;
	v0 =	vld @!p0 [tilespmem:s24+$0x10]  }
0xa6: {  	v1 =	vld @!p0 [tilespmem:s21+$0x190];
	_ =	sdelay $0x2  }
.Ltmp7:
0xa7: {  	_ = 	snop;
	(pc) =	sbr.rel .LBB2_5-.Ltmp7, $3  }
0xa8: {  	_ = 	snop  }
0xa9: {  	v0 =	vadd.f32 @!p0 v1, v0;
	_ =	sdelay $0x1  }
0xaa: {  	[tilespmem:s24+$0x10] =	vst @!p0 v0  }
.LBB2_8:
0xab: {  	_ =	sfence.sel $0x180000  }
0xac: {  	[bflag:$0x0] =	sbarrier.arrive $0xFFFF  }
0xad: {  	p0 =	sne.s32 s2, $0x0;
	_ =	strace $0x90000047  }
0xae: {  	s0 =	sadd.s32 @!p0 $0x100000, s0;
	[bflag:$0x2] =	sbarrier.arrive $0xFFFF  }
0xaf: {  	[sflag:s0] =	ssyncadd.tile.s32 @!p0 $0x1;
	_ =	shalt  }
.Lfunc_end2:
_tile_overlayer_lowered:
.L_overlay_start_2:
0xb0: {  	(tag) =	ssettag $0x2  }
0xb1: {  	s0 =	rddreg [dreg:$0x0];
	s2 =	stileid.u32  }
0xb2: {  	s1 =	rddreg [dreg:$0x1];
	p0 =	sne.s32 s2, $0x0  }
0xb3: {  	s3 =	rddreg [dreg:$0x2];
	[bflag:$0x3] =	sbarrier.arrive $0xFFFF;
	s2 =	simm.s32 @!p0 $0x1C01  }
0xb4: {  	[timem:s3], [sflag:s2] =	dma.local @!p0 [hbm:s0], s1  }
0xb5: {  	s0 =	simm.s32 @!p0 $0x1  }
0xb6: {  	_ =	swait.ge @!p0 [sflag:s0], s1  }
0xb7: {  	s1 =	ssub.s32 @!p0 $0x0, s1;
	[sflag:s0] =	ssyncset.done @!p0 $0x0  }
0xb8: {  	[sflag:s0] =	ssyncadd.s32 @!p0 s1  }
0xb9: {  	[bflag:$0x3] =	sbarrier.arrive $0xFFFF  }
0xba: {  	_ =	shalt  }

</sc_bundles>
